<compile_context>
chip_gen: v7x
topology: tpu7x:2x2x1
jax: 0.10.2.dev20260603
libtpu: 0.0.44.dev20260713+nightly
codegen_flags: <defaults>
</compile_context>

<pallas_src>
import functools

import jax
import jax.numpy as jnp
from jax import lax
from jax.experimental import pallas as pl
from jax.experimental.pallas import tpu as pltpu
from jax.experimental.pallas import tpu_sc as plsc

_CARDS = 100000
_D = 64
_CTX = 200
_HID = 128
_IN1 = _CTX * _D

_NW = 32
_ROWS_PER_W = 8
_PAD_B = _NW * _ROWS_PER_W
_PAD_IDX = _PAD_B + 8

_BV = 8192
_NCH = _CARDS // _BV
_TAIL_OFF = _NCH * _BV
_TAIL_W = _CARDS - _TAIL_OFF
_NBUF = 3

_sc_mesh = plsc.VectorSubcoreMesh(core_axis_name="c", subcore_axis_name="s")


@functools.partial(
    pl.kernel,
    mesh=_sc_mesh,
    out_type=jax.ShapeDtypeStruct((_PAD_B, _D), jnp.float32),
    scratch_types=[
        pltpu.VMEM((16,), jnp.int32),
        pltpu.VMEM((_ROWS_PER_W, _D), jnp.float32),
        pltpu.SemaphoreType.DMA,
    ],
)
def _sc_gather(table_hbm, idx_hbm, out_hbm, idx_v, rows_v, sem):
    wid = lax.axis_index("s") * 2 + lax.axis_index("c")
    base = wid * _ROWS_PER_W
    pltpu.sync_copy(idx_hbm.at[pl.ds(base, 16)], idx_v)
    idx = idx_v[...]
    copies = []
    for i in range(_ROWS_PER_W):
        copies.append(
            pltpu.async_copy(
                table_hbm.at[pl.ds(idx[i], 1)], rows_v.at[pl.ds(i, 1)], sem
            )
        )
    for c in copies:
        c.wait()
    pltpu.sync_copy(rows_v, out_hbm.at[pl.ds(base, _ROWS_PER_W)])


def _fused_body(e_ref, w1_ref, b1_ref, b2_ref, w2tail_ref, w2_hbm, out_ref, *rest):
    bufs = rest[:_NBUF]
    flat_sems = rest[_NBUF:]
    sems = [(flat_sems[2 * i], flat_sems[2 * i + 1]) for i in range(_NBUF)]
    copies = [None] * _NCH

    def start(j):
        b = bufs[j % _NBUF]
        c0 = pltpu.make_async_copy(
            w2_hbm.at[pl.ds(0, 64), pl.ds(j * _BV, _BV)],
            b.at[pl.ds(0, 64), :],
            sems[j % _NBUF][0],
        )
        c1 = pltpu.make_async_copy(
            w2_hbm.at[pl.ds(64, 64), pl.ds(j * _BV, _BV)],
            b.at[pl.ds(64, 64), :],
            sems[j % _NBUF][1],
        )
        c0.start()
        c1.start()
        copies[j] = (c0, c1)

    for j in range(min(_NBUF, _NCH)):
        start(j)

    h = jnp.dot(e_ref[...], w1_ref[...], preferred_element_type=jnp.float32)
    h = jnp.maximum(h + b1_ref[...], 0.0)

    zt = jnp.dot(h, w2tail_ref[...], preferred_element_type=jnp.float32)
    zt = zt + b2_ref[:, _TAIL_OFF:]
    out_ref[:, _TAIL_OFF:] = zt
    m = jnp.max(zt)
    s = jnp.sum(jnp.exp(zt - m))

    for j in range(_NCH):
        copies[j][0].wait()
        copies[j][1].wait()
        if j + _NBUF < _NCH:
            start(j + _NBUF)
        off = j * _BV
        z = jnp.dot(h, bufs[j % _NBUF][...], preferred_element_type=jnp.float32)
        z = z + b2_ref[:, off : off + _BV]
        out_ref[:, off : off + _BV] = z
        bm = jnp.max(z)
        mn = jnp.maximum(m, bm)
        s = s * jnp.exp(m - mn) + jnp.sum(jnp.exp(z - mn))
        m = mn
    lse = m + jnp.log(s)
    out_ref[...] = out_ref[...] - lse


def kernel(inputs, emb_table, W1, b1, W2, b2):
    idx = jnp.zeros((_PAD_IDX,), jnp.int32).at[:_CTX].set(inputs)
    rows = _sc_gather(emb_table, idx)
    e = rows[:_CTX].reshape(1, _IN1)

    log_probs = pl.pallas_call(
        _fused_body,
        in_specs=[
            pl.BlockSpec(memory_space=pltpu.VMEM),
            pl.BlockSpec(memory_space=pltpu.VMEM),
            pl.BlockSpec(memory_space=pltpu.VMEM),
            pl.BlockSpec(memory_space=pltpu.VMEM),
            pl.BlockSpec(memory_space=pltpu.VMEM),
            pl.BlockSpec(memory_space=pltpu.MemorySpace.HBM),
        ],
        out_specs=pl.BlockSpec(memory_space=pltpu.VMEM),
        out_shape=jax.ShapeDtypeStruct((1, _CARDS), jnp.float32),
        scratch_shapes=(
            [pltpu.VMEM((_HID, _BV), jnp.float32) for _ in range(_NBUF)]
            + [pltpu.SemaphoreType.DMA for _ in range(2 * _NBUF)]
        ),
    )(
        e,
        W1,
        b1.reshape(1, _HID),
        b2.reshape(1, _CARDS),
        lax.slice(W2, (0, _TAIL_OFF), (_HID, _CARDS)),
        W2,
    )

    return log_probs

# --- scband reference (transcript-rebuilt; emitter-appended) ---
"""Pipeline reference for scband-embedding-model-3719441678925 (READ-ONLY COPY).

The authoritative reference and input builder live on the scoring server;
editing this copy changes nothing except your own understanding.
"""

import jax, jax.numpy as jnp
import numpy as np

CARDS_NUMBER = 100000
EMBED_DIM = 64
CONTEXT_SIZE = 200
HIDDEN = 128


def setup_inputs(seed: int = 0) -> dict:
    key = jax.random.key(seed)
    k_idx, k_emb, k_w1, k_b1, k_w2, k_b2 = jax.random.split(key, 6)
    inputs = jax.random.randint(k_idx, (CONTEXT_SIZE,), 0, CARDS_NUMBER, dtype=jnp.int64 if jax.config.jax_enable_x64 else jnp.int32).astype(jnp.int32)
    emb_table = jax.random.normal(k_emb, (CARDS_NUMBER, EMBED_DIM), dtype=jnp.float32)
    in1 = CONTEXT_SIZE * EMBED_DIM
    # torch nn.Linear default init: U(-1/sqrt(fan_in), 1/sqrt(fan_in))
    lim1 = 1.0 / np.sqrt(in1)
    W1 = jax.random.uniform(k_w1, (in1, HIDDEN), minval=-lim1, maxval=lim1, dtype=jnp.float32)
    b1 = jax.random.uniform(k_b1, (HIDDEN,), minval=-lim1, maxval=lim1, dtype=jnp.float32)
    lim2 = 1.0 / np.sqrt(HIDDEN)
    W2 = jax.random.uniform(k_w2, (HIDDEN, CARDS_NUMBER), minval=-lim2, maxval=lim2, dtype=jnp.float32)
    b2 = jax.random.uniform(k_b2, (CARDS_NUMBER,), minval=-lim2, maxval=lim2, dtype=jnp.float32)
    return {"inputs": inputs, "emb_table": emb_table, "W1": W1, "b1": b1, "W2": W2, "b2": b2}


def reference(inputs, emb_table, W1, b1, W2, b2):
    # embeds = self.embeddings(inputs).view((1, -1))
    embeds = jnp.take(emb_table, inputs, axis=0).reshape((1, -1))
    # out = F.relu(self.linear1(embeds))
    out = jax.nn.relu(embeds @ W1 + b1)
    # out = self.linear2(out)
    out = out @ W2 + b2
    # log_probs = F.log_softmax(out, dim=1)
    log_probs = jax.nn.log_softmax(out, axis=1)
    return log_probs

if __name__ == "__main__":
    import jax
    _d = setup_inputs()
    print(jax.jit(kernel)(*tuple(_d.values())))

</pallas_src>

<mosaic_0001>
#map = affine_map<(d0, d1) -> (0, 0)>
#map1 = affine_map<(d0, d1) -> (0)>
module attributes {stable_mosaic.version = 14 : i64} {
  func.func @_sc_gather(%arg0: i32, %arg1: i32, %arg2: memref<100000x64xf32, #tpu.memory_space<hbm>>, %arg3: memref<264xi32, #tpu.memory_space<hbm>>, %arg4: memref<256x64xf32, #tpu.memory_space<hbm>>, %arg5: memref<16xi32, #tpu.memory_space<vmem>>, %arg6: memref<8x64xf32, #tpu.memory_space<vmem>>, %arg7: memref<!tpu.dma_semaphore, #tpu.memory_space<semaphore_mem>>) attributes {dimension_semantics = [#tpu.dimension_semantics<core_parallel>, #tpu.dimension_semantics<subcore_parallel>], iteration_bounds = array<i64: 2, 16>, scalar_prefetch = 0 : i64, scratch_operands = 3 : i64, tpu.core_type = #tpu.core_type<sc_vector_subcore>, window_params = [{transform_indices = #map}, {transform_indices = #map1}, {transform_indices = #map}]} {
    %mul3A = arith.constant 2 : i32
    %mul3A_0 = arith.muli %arg1, %mul3A : i32
    %add3A = arith.addi %mul3A_0, %arg0 : i32
    %mul3A_1 = arith.constant 8 : i32
    %mul3A_2 = arith.muli %add3A, %mul3A_1 : i32
    "tpu.region"() ({
      %run_scoped3A = tpu.sem_alloc : memref<!tpu.dma_semaphore, #tpu.memory_space<semaphore_mem>>
      %dma_start3A_177 = tpu.memref_slice %arg3[%mul3A_2] : memref<264xi32, #tpu.memory_space<hbm>> -> memref<16xi32, #tpu.memory_space<hbm>>
      %dma_start3A_178 = tpu.memref_slice %arg3[%mul3A_2] : memref<264xi32, #tpu.memory_space<hbm>> -> memref<16xi32, #tpu.memory_space<hbm>>
      tpu.enqueue_dma source(%dma_start3A_178 : memref<16xi32, #tpu.memory_space<hbm>>) target(%arg5 : memref<16xi32, #tpu.memory_space<vmem>>) target_semaphore(%run_scoped3A : memref<!tpu.dma_semaphore, #tpu.memory_space<semaphore_mem>>)
      %dma_wait3A_179 = tpu.memref_slice %arg3[%mul3A_2] : memref<264xi32, #tpu.memory_space<hbm>> -> memref<16xi32, #tpu.memory_space<hbm>>
      %dma_wait3A_180 = tpu.memref_slice %arg3[%mul3A_2] : memref<264xi32, #tpu.memory_space<hbm>> -> memref<16xi32, #tpu.memory_space<hbm>>
      tpu.wait_dma2 semaphore(%run_scoped3A : memref<!tpu.dma_semaphore, #tpu.memory_space<semaphore_mem>>) src(%dma_wait3A_180 : memref<16xi32, #tpu.memory_space<hbm>>) dst(%arg5 : memref<16xi32, #tpu.memory_space<vmem>>)
      tpu.yield
    }) : () -> ()
    %get3A = arith.constant 0 : index
    %get3A_3 = tpu.vector_load %arg5[%get3A] {strides = array<i32>} : memref<16xi32, #tpu.memory_space<vmem>>, vector<16xi32>,
    %get3A_4 = vector.shape_cast %get3A_3 : vector<16xi32> to vector<16xi32>
    %slice3A = vector.extract_strided_slice %get3A_4 {offsets = [0], sizes = [1], strides = [1]} : vector<16xi32> to vector<1xi32>
    %squeeze3A = vector.extract %slice3A[0] : i32 from vector<1xi32>
    %dma_start3A = arith.constant 0 : i32
    %dma_start3A_5 = arith.constant 0 : i32
    %dma_start3A_6 = tpu.memref_slice %arg6[%dma_start3A, %dma_start3A_5] : memref<8x64xf32, #tpu.memory_space<vmem>> -> memref<1x64xf32, #tpu.memory_space<vmem>>
    %dma_start3A_7 = arith.constant 0 : i32
    %dma_start3A_8 = tpu.memref_slice %arg2[%squeeze3A, %dma_start3A_7] : memref<100000x64xf32, #tpu.memory_space<hbm>> -> memref<1x64xf32, #tpu.memory_space<hbm>>
    %dma_start3A_9 = arith.constant 0 : i32
    %dma_start3A_10 = arith.constant 0 : i32
    %dma_start3A_11 = tpu.memref_slice %arg6[%dma_start3A_9, %dma_start3A_10] : memref<8x64xf32, #tpu.memory_space<vmem>> -> memref<1x64xf32, #tpu.memory_space<vmem>>
    %dma_start3A_12 = arith.constant 0 : i32
    %dma_start3A_13 = tpu.memref_slice %arg2[%squeeze3A, %dma_start3A_12] : memref<100000x64xf32, #tpu.memory_space<hbm>> -> memref<1x64xf32, #tpu.memory_space<hbm>>
    tpu.enqueue_dma source(%dma_start3A_13 : memref<1x64xf32, #tpu.memory_space<hbm>>) target(%dma_start3A_11 : memref<1x64xf32, #tpu.memory_space<vmem>>) target_semaphore(%arg7 : memref<!tpu.dma_semaphore, #tpu.memory_space<semaphore_mem>>)
    %slice3A_14 = vector.extract_strided_slice %get3A_4 {offsets = [1], sizes = [1], strides = [1]} : vector<16xi32> to vector<1xi32>
    %squeeze3A_15 = vector.extract %slice3A_14[0] : i32 from vector<1xi32>
    %dma_start3A_16 = arith.constant 1 : i32
    %dma_start3A_17 = arith.constant 0 : i32
    %dma_start3A_18 = tpu.memref_slice %arg6[%dma_start3A_16, %dma_start3A_17] : memref<8x64xf32, #tpu.memory_space<vmem>> -> memref<1x64xf32, #tpu.memory_space<vmem>>
    %dma_start3A_19 = arith.constant 0 : i32
    %dma_start3A_20 = tpu.memref_slice %arg2[%squeeze3A_15, %dma_start3A_19] : memref<100000x64xf32, #tpu.memory_space<hbm>> -> memref<1x64xf32, #tpu.memory_space<hbm>>
    %dma_start3A_21 = arith.constant 1 : i32
    %dma_start3A_22 = arith.constant 0 : i32
    %dma_start3A_23 = tpu.memref_slice %arg6[%dma_start3A_21, %dma_start3A_22] : memref<8x64xf32, #tpu.memory_space<vmem>> -> memref<1x64xf32, #tpu.memory_space<vmem>>
    %dma_start3A_24 = arith.constant 0 : i32
    %dma_start3A_25 = tpu.memref_slice %arg2[%squeeze3A_15, %dma_start3A_24] : memref<100000x64xf32, #tpu.memory_space<hbm>> -> memref<1x64xf32, #tpu.memory_space<hbm>>
    tpu.enqueue_dma source(%dma_start3A_25 : memref<1x64xf32, #tpu.memory_space<hbm>>) target(%dma_start3A_23 : memref<1x64xf32, #tpu.memory_space<vmem>>) target_semaphore(%arg7 : memref<!tpu.dma_semaphore, #tpu.memory_space<semaphore_mem>>)
    %slice3A_26 = vector.extract_strided_slice %get3A_4 {offsets = [2], sizes = [1], strides = [1]} : vector<16xi32> to vector<1xi32>
    %squeeze3A_27 = vector.extract %slice3A_26[0] : i32 from vector<1xi32>
    %dma_start3A_28 = arith.constant 2 : i32
    %dma_start3A_29 = arith.constant 0 : i32
    %dma_start3A_30 = tpu.memref_slice %arg6[%dma_start3A_28, %dma_start3A_29] : memref<8x64xf32, #tpu.memory_space<vmem>> -> memref<1x64xf32, #tpu.memory_space<vmem>>
    %dma_start3A_31 = arith.constant 0 : i32
    %dma_start3A_32 = tpu.memref_slice %arg2[%squeeze3A_27, %dma_start3A_31] : memref<100000x64xf32, #tpu.memory_space<hbm>> -> memref<1x64xf32, #tpu.memory_space<hbm>>
    %dma_start3A_33 = arith.constant 2 : i32
    %dma_start3A_34 = arith.constant 0 : i32
    %dma_start3A_35 = tpu.memref_slice %arg6[%dma_start3A_33, %dma_start3A_34] : memref<8x64xf32, #tpu.memory_space<vmem>> -> memref<1x64xf32, #tpu.memory_space<vmem>>
    %dma_start3A_36 = arith.constant 0 : i32
    %dma_start3A_37 = tpu.memref_slice %arg2[%squeeze3A_27, %dma_start3A_36] : memref<100000x64xf32, #tpu.memory_space<hbm>> -> memref<1x64xf32, #tpu.memory_space<hbm>>
    tpu.enqueue_dma source(%dma_start3A_37 : memref<1x64xf32, #tpu.memory_space<hbm>>) target(%dma_start3A_35 : memref<1x64xf32, #tpu.memory_space<vmem>>) target_semaphore(%arg7 : memref<!tpu.dma_semaphore, #tpu.memory_space<semaphore_mem>>)
    %slice3A_38 = vector.extract_strided_slice %get3A_4 {offsets = [3], sizes = [1], strides = [1]} : vector<16xi32> to vector<1xi32>
    %squeeze3A_39 = vector.extract %slice3A_38[0] : i32 from vector<1xi32>
    %dma_start3A_40 = arith.constant 3 : i32
    %dma_start3A_41 = arith.constant 0 : i32
    %dma_start3A_42 = tpu.memref_slice %arg6[%dma_start3A_40, %dma_start3A_41] : memref<8x64xf32, #tpu.memory_space<vmem>> -> memref<1x64xf32, #tpu.memory_space<vmem>>
    %dma_start3A_43 = arith.constant 0 : i32
    %dma_start3A_44 = tpu.memref_slice %arg2[%squeeze3A_39, %dma_start3A_43] : memref<100000x64xf32, #tpu.memory_space<hbm>> -> memref<1x64xf32, #tpu.memory_space<hbm>>
    %dma_start3A_45 = arith.constant 3 : i32
    %dma_start3A_46 = arith.constant 0 : i32
    %dma_start3A_47 = tpu.memref_slice %arg6[%dma_start3A_45, %dma_start3A_46] : memref<8x64xf32, #tpu.memory_space<vmem>> -> memref<1x64xf32, #tpu.memory_space<vmem>>
    %dma_start3A_48 = arith.constant 0 : i32
    %dma_start3A_49 = tpu.memref_slice %arg2[%squeeze3A_39, %dma_start3A_48] : memref<100000x64xf32, #tpu.memory_space<hbm>> -> memref<1x64xf32, #tpu.memory_space<hbm>>
    tpu.enqueue_dma source(%dma_start3A_49 : memref<1x64xf32, #tpu.memory_space<hbm>>) target(%dma_start3A_47 : memref<1x64xf32, #tpu.memory_space<vmem>>) target_semaphore(%arg7 : memref<!tpu.dma_semaphore, #tpu.memory_space<semaphore_mem>>)
    %slice3A_50 = vector.extract_strided_slice %get3A_4 {offsets = [4], sizes = [1], strides = [1]} : vector<16xi32> to vector<1xi32>
    %squeeze3A_51 = vector.extract %slice3A_50[0] : i32 from vector<1xi32>
    %dma_start3A_52 = arith.constant 4 : i32
    %dma_start3A_53 = arith.constant 0 : i32
    %dma_start3A_54 = tpu.memref_slice %arg6[%dma_start3A_52, %dma_start3A_53] : memref<8x64xf32, #tpu.memory_space<vmem>> -> memref<1x64xf32, #tpu.memory_space<vmem>>
    %dma_start3A_55 = arith.constant 0 : i32
    %dma_start3A_56 = tpu.memref_slice %arg2[%squeeze3A_51, %dma_start3A_55] : memref<100000x64xf32, #tpu.memory_space<hbm>> -> memref<1x64xf32, #tpu.memory_space<hbm>>
    %dma_start3A_57 = arith.constant 4 : i32
    %dma_start3A_58 = arith.constant 0 : i32
    %dma_start3A_59 = tpu.memref_slice %arg6[%dma_start3A_57, %dma_start3A_58] : memref<8x64xf32, #tpu.memory_space<vmem>> -> memref<1x64xf32, #tpu.memory_space<vmem>>
    %dma_start3A_60 = arith.constant 0 : i32
    %dma_start3A_61 = tpu.memref_slice %arg2[%squeeze3A_51, %dma_start3A_60] : memref<100000x64xf32, #tpu.memory_space<hbm>> -> memref<1x64xf32, #tpu.memory_space<hbm>>
    tpu.enqueue_dma source(%dma_start3A_61 : memref<1x64xf32, #tpu.memory_space<hbm>>) target(%dma_start3A_59 : memref<1x64xf32, #tpu.memory_space<vmem>>) target_semaphore(%arg7 : memref<!tpu.dma_semaphore, #tpu.memory_space<semaphore_mem>>)
    %slice3A_62 = vector.extract_strided_slice %get3A_4 {offsets = [5], sizes = [1], strides = [1]} : vector<16xi32> to vector<1xi32>
    %squeeze3A_63 = vector.extract %slice3A_62[0] : i32 from vector<1xi32>
    %dma_start3A_64 = arith.constant 5 : i32
    %dma_start3A_65 = arith.constant 0 : i32
    %dma_start3A_66 = tpu.memref_slice %arg6[%dma_start3A_64, %dma_start3A_65] : memref<8x64xf32, #tpu.memory_space<vmem>> -> memref<1x64xf32, #tpu.memory_space<vmem>>
    %dma_start3A_67 = arith.constant 0 : i32
    %dma_start3A_68 = tpu.memref_slice %arg2[%squeeze3A_63, %dma_start3A_67] : memref<100000x64xf32, #tpu.memory_space<hbm>> -> memref<1x64xf32, #tpu.memory_space<hbm>>
    %dma_start3A_69 = arith.constant 5 : i32
    %dma_start3A_70 = arith.constant 0 : i32
    %dma_start3A_71 = tpu.memref_slice %arg6[%dma_start3A_69, %dma_start3A_70] : memref<8x64xf32, #tpu.memory_space<vmem>> -> memref<1x64xf32, #tpu.memory_space<vmem>>
    %dma_start3A_72 = arith.constant 0 : i32
    %dma_start3A_73 = tpu.memref_slice %arg2[%squeeze3A_63, %dma_start3A_72] : memref<100000x64xf32, #tpu.memory_space<hbm>> -> memref<1x64xf32, #tpu.memory_space<hbm>>
    tpu.enqueue_dma source(%dma_start3A_73 : memref<1x64xf32, #tpu.memory_space<hbm>>) target(%dma_start3A_71 : memref<1x64xf32, #tpu.memory_space<vmem>>) target_semaphore(%arg7 : memref<!tpu.dma_semaphore, #tpu.memory_space<semaphore_mem>>)
    %slice3A_74 = vector.extract_strided_slice %get3A_4 {offsets = [6], sizes = [1], strides = [1]} : vector<16xi32> to vector<1xi32>
    %squeeze3A_75 = vector.extract %slice3A_74[0] : i32 from vector<1xi32>
    %dma_start3A_76 = arith.constant 6 : i32
    %dma_start3A_77 = arith.constant 0 : i32
    %dma_start3A_78 = tpu.memref_slice %arg6[%dma_start3A_76, %dma_start3A_77] : memref<8x64xf32, #tpu.memory_space<vmem>> -> memref<1x64xf32, #tpu.memory_space<vmem>>
    %dma_start3A_79 = arith.constant 0 : i32
    %dma_start3A_80 = tpu.memref_slice %arg2[%squeeze3A_75, %dma_start3A_79] : memref<100000x64xf32, #tpu.memory_space<hbm>> -> memref<1x64xf32, #tpu.memory_space<hbm>>
    %dma_start3A_81 = arith.constant 6 : i32
    %dma_start3A_82 = arith.constant 0 : i32
    %dma_start3A_83 = tpu.memref_slice %arg6[%dma_start3A_81, %dma_start3A_82] : memref<8x64xf32, #tpu.memory_space<vmem>> -> memref<1x64xf32, #tpu.memory_space<vmem>>
    %dma_start3A_84 = arith.constant 0 : i32
    %dma_start3A_85 = tpu.memref_slice %arg2[%squeeze3A_75, %dma_start3A_84] : memref<100000x64xf32, #tpu.memory_space<hbm>> -> memref<1x64xf32, #tpu.memory_space<hbm>>
    tpu.enqueue_dma source(%dma_start3A_85 : memref<1x64xf32, #tpu.memory_space<hbm>>) target(%dma_start3A_83 : memref<1x64xf32, #tpu.memory_space<vmem>>) target_semaphore(%arg7 : memref<!tpu.dma_semaphore, #tpu.memory_space<semaphore_mem>>)
    %slice3A_86 = vector.extract_strided_slice %get3A_4 {offsets = [7], sizes = [1], strides = [1]} : vector<16xi32> to vector<1xi32>
    %squeeze3A_87 = vector.extract %slice3A_86[0] : i32 from vector<1xi32>
    %dma_start3A_88 = arith.constant 7 : i32
    %dma_start3A_89 = arith.constant 0 : i32
    %dma_start3A_90 = tpu.memref_slice %arg6[%dma_start3A_88, %dma_start3A_89] : memref<8x64xf32, #tpu.memory_space<vmem>> -> memref<1x64xf32, #tpu.memory_space<vmem>>
    %dma_start3A_91 = arith.constant 0 : i32
    %dma_start3A_92 = tpu.memref_slice %arg2[%squeeze3A_87, %dma_start3A_91] : memref<100000x64xf32, #tpu.memory_space<hbm>> -> memref<1x64xf32, #tpu.memory_space<hbm>>
    %dma_start3A_93 = arith.constant 7 : i32
    %dma_start3A_94 = arith.constant 0 : i32
    %dma_start3A_95 = tpu.memref_slice %arg6[%dma_start3A_93, %dma_start3A_94] : memref<8x64xf32, #tpu.memory_space<vmem>> -> memref<1x64xf32, #tpu.memory_space<vmem>>
    %dma_start3A_96 = arith.constant 0 : i32
    %dma_start3A_97 = tpu.memref_slice %arg2[%squeeze3A_87, %dma_start3A_96] : memref<100000x64xf32, #tpu.memory_space<hbm>> -> memref<1x64xf32, #tpu.memory_space<hbm>>
    tpu.enqueue_dma source(%dma_start3A_97 : memref<1x64xf32, #tpu.memory_space<hbm>>) target(%dma_start3A_95 : memref<1x64xf32, #tpu.memory_space<vmem>>) target_semaphore(%arg7 : memref<!tpu.dma_semaphore, #tpu.memory_space<semaphore_mem>>)
    %dma_wait3A = arith.constant 0 : i32
    %dma_wait3A_98 = arith.constant 0 : i32
    %dma_wait3A_99 = tpu.memref_slice %arg6[%dma_wait3A, %dma_wait3A_98] : memref<8x64xf32, #tpu.memory_space<vmem>> -> memref<1x64xf32, #tpu.memory_space<vmem>>
    %dma_wait3A_100 = arith.constant 0 : i32
    %dma_wait3A_101 = tpu.memref_slice %arg2[%squeeze3A, %dma_wait3A_100] : memref<100000x64xf32, #tpu.memory_space<hbm>> -> memref<1x64xf32, #tpu.memory_space<hbm>>
    %dma_wait3A_102 = arith.constant 0 : i32
    %dma_wait3A_103 = arith.constant 0 : i32
    %dma_wait3A_104 = tpu.memref_slice %arg6[%dma_wait3A_102, %dma_wait3A_103] : memref<8x64xf32, #tpu.memory_space<vmem>> -> memref<1x64xf32, #tpu.memory_space<vmem>>
    %dma_wait3A_105 = arith.constant 0 : i32
    %dma_wait3A_106 = tpu.memref_slice %arg2[%squeeze3A, %dma_wait3A_105] : memref<100000x64xf32, #tpu.memory_space<hbm>> -> memref<1x64xf32, #tpu.memory_space<hbm>>
    tpu.wait_dma2 semaphore(%arg7 : memref<!tpu.dma_semaphore, #tpu.memory_space<semaphore_mem>>) src(%dma_wait3A_106 : memref<1x64xf32, #tpu.memory_space<hbm>>) dst(%dma_wait3A_104 : memref<1x64xf32, #tpu.memory_space<vmem>>)
    %dma_wait3A_107 = arith.constant 1 : i32
    %dma_wait3A_108 = arith.constant 0 : i32
    %dma_wait3A_109 = tpu.memref_slice %arg6[%dma_wait3A_107, %dma_wait3A_108] : memref<8x64xf32, #tpu.memory_space<vmem>> -> memref<1x64xf32, #tpu.memory_space<vmem>>
    %dma_wait3A_110 = arith.constant 0 : i32
    %dma_wait3A_111 = tpu.memref_slice %arg2[%squeeze3A_15, %dma_wait3A_110] : memref<100000x64xf32, #tpu.memory_space<hbm>> -> memref<1x64xf32, #tpu.memory_space<hbm>>
    %dma_wait3A_112 = arith.constant 1 : i32
    %dma_wait3A_113 = arith.constant 0 : i32
    %dma_wait3A_114 = tpu.memref_slice %arg6[%dma_wait3A_112, %dma_wait3A_113] : memref<8x64xf32, #tpu.memory_space<vmem>> -> memref<1x64xf32, #tpu.memory_space<vmem>>
    %dma_wait3A_115 = arith.constant 0 : i32
    %dma_wait3A_116 = tpu.memref_slice %arg2[%squeeze3A_15, %dma_wait3A_115] : memref<100000x64xf32, #tpu.memory_space<hbm>> -> memref<1x64xf32, #tpu.memory_space<hbm>>
    tpu.wait_dma2 semaphore(%arg7 : memref<!tpu.dma_semaphore, #tpu.memory_space<semaphore_mem>>) src(%dma_wait3A_116 : memref<1x64xf32, #tpu.memory_space<hbm>>) dst(%dma_wait3A_114 : memref<1x64xf32, #tpu.memory_space<vmem>>)
    %dma_wait3A_117 = arith.constant 2 : i32
    %dma_wait3A_118 = arith.constant 0 : i32
    %dma_wait3A_119 = tpu.memref_slice %arg6[%dma_wait3A_117, %dma_wait3A_118] : memref<8x64xf32, #tpu.memory_space<vmem>> -> memref<1x64xf32, #tpu.memory_space<vmem>>
    %dma_wait3A_120 = arith.constant 0 : i32
    %dma_wait3A_121 = tpu.memref_slice %arg2[%squeeze3A_27, %dma_wait3A_120] : memref<100000x64xf32, #tpu.memory_space<hbm>> -> memref<1x64xf32, #tpu.memory_space<hbm>>
    %dma_wait3A_122 = arith.constant 2 : i32
    %dma_wait3A_123 = arith.constant 0 : i32
    %dma_wait3A_124 = tpu.memref_slice %arg6[%dma_wait3A_122, %dma_wait3A_123] : memref<8x64xf32, #tpu.memory_space<vmem>> -> memref<1x64xf32, #tpu.memory_space<vmem>>
    %dma_wait3A_125 = arith.constant 0 : i32
    %dma_wait3A_126 = tpu.memref_slice %arg2[%squeeze3A_27, %dma_wait3A_125] : memref<100000x64xf32, #tpu.memory_space<hbm>> -> memref<1x64xf32, #tpu.memory_space<hbm>>
    tpu.wait_dma2 semaphore(%arg7 : memref<!tpu.dma_semaphore, #tpu.memory_space<semaphore_mem>>) src(%dma_wait3A_126 : memref<1x64xf32, #tpu.memory_space<hbm>>) dst(%dma_wait3A_124 : memref<1x64xf32, #tpu.memory_space<vmem>>)
    %dma_wait3A_127 = arith.constant 3 : i32
    %dma_wait3A_128 = arith.constant 0 : i32
    %dma_wait3A_129 = tpu.memref_slice %arg6[%dma_wait3A_127, %dma_wait3A_128] : memref<8x64xf32, #tpu.memory_space<vmem>> -> memref<1x64xf32, #tpu.memory_space<vmem>>
    %dma_wait3A_130 = arith.constant 0 : i32
    %dma_wait3A_131 = tpu.memref_slice %arg2[%squeeze3A_39, %dma_wait3A_130] : memref<100000x64xf32, #tpu.memory_space<hbm>> -> memref<1x64xf32, #tpu.memory_space<hbm>>
    %dma_wait3A_132 = arith.constant 3 : i32
    %dma_wait3A_133 = arith.constant 0 : i32
    %dma_wait3A_134 = tpu.memref_slice %arg6[%dma_wait3A_132, %dma_wait3A_133] : memref<8x64xf32, #tpu.memory_space<vmem>> -> memref<1x64xf32, #tpu.memory_space<vmem>>
    %dma_wait3A_135 = arith.constant 0 : i32
    %dma_wait3A_136 = tpu.memref_slice %arg2[%squeeze3A_39, %dma_wait3A_135] : memref<100000x64xf32, #tpu.memory_space<hbm>> -> memref<1x64xf32, #tpu.memory_space<hbm>>
    tpu.wait_dma2 semaphore(%arg7 : memref<!tpu.dma_semaphore, #tpu.memory_space<semaphore_mem>>) src(%dma_wait3A_136 : memref<1x64xf32, #tpu.memory_space<hbm>>) dst(%dma_wait3A_134 : memref<1x64xf32, #tpu.memory_space<vmem>>)
    %dma_wait3A_137 = arith.constant 4 : i32
    %dma_wait3A_138 = arith.constant 0 : i32
    %dma_wait3A_139 = tpu.memref_slice %arg6[%dma_wait3A_137, %dma_wait3A_138] : memref<8x64xf32, #tpu.memory_space<vmem>> -> memref<1x64xf32, #tpu.memory_space<vmem>>
    %dma_wait3A_140 = arith.constant 0 : i32
    %dma_wait3A_141 = tpu.memref_slice %arg2[%squeeze3A_51, %dma_wait3A_140] : memref<100000x64xf32, #tpu.memory_space<hbm>> -> memref<1x64xf32, #tpu.memory_space<hbm>>
    %dma_wait3A_142 = arith.constant 4 : i32
    %dma_wait3A_143 = arith.constant 0 : i32
    %dma_wait3A_144 = tpu.memref_slice %arg6[%dma_wait3A_142, %dma_wait3A_143] : memref<8x64xf32, #tpu.memory_space<vmem>> -> memref<1x64xf32, #tpu.memory_space<vmem>>
    %dma_wait3A_145 = arith.constant 0 : i32
    %dma_wait3A_146 = tpu.memref_slice %arg2[%squeeze3A_51, %dma_wait3A_145] : memref<100000x64xf32, #tpu.memory_space<hbm>> -> memref<1x64xf32, #tpu.memory_space<hbm>>
    tpu.wait_dma2 semaphore(%arg7 : memref<!tpu.dma_semaphore, #tpu.memory_space<semaphore_mem>>) src(%dma_wait3A_146 : memref<1x64xf32, #tpu.memory_space<hbm>>) dst(%dma_wait3A_144 : memref<1x64xf32, #tpu.memory_space<vmem>>)
    %dma_wait3A_147 = arith.constant 5 : i32
    %dma_wait3A_148 = arith.constant 0 : i32
    %dma_wait3A_149 = tpu.memref_slice %arg6[%dma_wait3A_147, %dma_wait3A_148] : memref<8x64xf32, #tpu.memory_space<vmem>> -> memref<1x64xf32, #tpu.memory_space<vmem>>
    %dma_wait3A_150 = arith.constant 0 : i32
    %dma_wait3A_151 = tpu.memref_slice %arg2[%squeeze3A_63, %dma_wait3A_150] : memref<100000x64xf32, #tpu.memory_space<hbm>> -> memref<1x64xf32, #tpu.memory_space<hbm>>
    %dma_wait3A_152 = arith.constant 5 : i32
    %dma_wait3A_153 = arith.constant 0 : i32
    %dma_wait3A_154 = tpu.memref_slice %arg6[%dma_wait3A_152, %dma_wait3A_153] : memref<8x64xf32, #tpu.memory_space<vmem>> -> memref<1x64xf32, #tpu.memory_space<vmem>>
    %dma_wait3A_155 = arith.constant 0 : i32
    %dma_wait3A_156 = tpu.memref_slice %arg2[%squeeze3A_63, %dma_wait3A_155] : memref<100000x64xf32, #tpu.memory_space<hbm>> -> memref<1x64xf32, #tpu.memory_space<hbm>>
    tpu.wait_dma2 semaphore(%arg7 : memref<!tpu.dma_semaphore, #tpu.memory_space<semaphore_mem>>) src(%dma_wait3A_156 : memref<1x64xf32, #tpu.memory_space<hbm>>) dst(%dma_wait3A_154 : memref<1x64xf32, #tpu.memory_space<vmem>>)
    %dma_wait3A_157 = arith.constant 6 : i32
    %dma_wait3A_158 = arith.constant 0 : i32
    %dma_wait3A_159 = tpu.memref_slice %arg6[%dma_wait3A_157, %dma_wait3A_158] : memref<8x64xf32, #tpu.memory_space<vmem>> -> memref<1x64xf32, #tpu.memory_space<vmem>>
    %dma_wait3A_160 = arith.constant 0 : i32
    %dma_wait3A_161 = tpu.memref_slice %arg2[%squeeze3A_75, %dma_wait3A_160] : memref<100000x64xf32, #tpu.memory_space<hbm>> -> memref<1x64xf32, #tpu.memory_space<hbm>>
    %dma_wait3A_162 = arith.constant 6 : i32
    %dma_wait3A_163 = arith.constant 0 : i32
    %dma_wait3A_164 = tpu.memref_slice %arg6[%dma_wait3A_162, %dma_wait3A_163] : memref<8x64xf32, #tpu.memory_space<vmem>> -> memref<1x64xf32, #tpu.memory_space<vmem>>
    %dma_wait3A_165 = arith.constant 0 : i32
    %dma_wait3A_166 = tpu.memref_slice %arg2[%squeeze3A_75, %dma_wait3A_165] : memref<100000x64xf32, #tpu.memory_space<hbm>> -> memref<1x64xf32, #tpu.memory_space<hbm>>
    tpu.wait_dma2 semaphore(%arg7 : memref<!tpu.dma_semaphore, #tpu.memory_space<semaphore_mem>>) src(%dma_wait3A_166 : memref<1x64xf32, #tpu.memory_space<hbm>>) dst(%dma_wait3A_164 : memref<1x64xf32, #tpu.memory_space<vmem>>)
    %dma_wait3A_167 = arith.constant 7 : i32
    %dma_wait3A_168 = arith.constant 0 : i32
    %dma_wait3A_169 = tpu.memref_slice %arg6[%dma_wait3A_167, %dma_wait3A_168] : memref<8x64xf32, #tpu.memory_space<vmem>> -> memref<1x64xf32, #tpu.memory_space<vmem>>
    %dma_wait3A_170 = arith.constant 0 : i32
    %dma_wait3A_171 = tpu.memref_slice %arg2[%squeeze3A_87, %dma_wait3A_170] : memref<100000x64xf32, #tpu.memory_space<hbm>> -> memref<1x64xf32, #tpu.memory_space<hbm>>
    %dma_wait3A_172 = arith.constant 7 : i32
    %dma_wait3A_173 = arith.constant 0 : i32
    %dma_wait3A_174 = tpu.memref_slice %arg6[%dma_wait3A_172, %dma_wait3A_173] : memref<8x64xf32, #tpu.memory_space<vmem>> -> memref<1x64xf32, #tpu.memory_space<vmem>>
    %dma_wait3A_175 = arith.constant 0 : i32
    %dma_wait3A_176 = tpu.memref_slice %arg2[%squeeze3A_87, %dma_wait3A_175] : memref<100000x64xf32, #tpu.memory_space<hbm>> -> memref<1x64xf32, #tpu.memory_space<hbm>>
    tpu.wait_dma2 semaphore(%arg7 : memref<!tpu.dma_semaphore, #tpu.memory_space<semaphore_mem>>) src(%dma_wait3A_176 : memref<1x64xf32, #tpu.memory_space<hbm>>) dst(%dma_wait3A_174 : memref<1x64xf32, #tpu.memory_space<vmem>>)
    "tpu.region"() ({
      %run_scoped3A = tpu.sem_alloc : memref<!tpu.dma_semaphore, #tpu.memory_space<semaphore_mem>>
      %dma_start3A_177 = arith.constant 0 : i32
      %dma_start3A_178 = tpu.memref_slice %arg4[%mul3A_2, %dma_start3A_177] : memref<256x64xf32, #tpu.memory_space<hbm>> -> memref<8x64xf32, #tpu.memory_space<hbm>>
      %dma_start3A_179 = arith.constant 0 : i32
      %dma_start3A_180 = tpu.memref_slice %arg4[%mul3A_2, %dma_start3A_179] : memref<256x64xf32, #tpu.memory_space<hbm>> -> memref<8x64xf32, #tpu.memory_space<hbm>>
      tpu.enqueue_dma source(%arg6 : memref<8x64xf32, #tpu.memory_space<vmem>>) target(%dma_start3A_180 : memref<8x64xf32, #tpu.memory_space<hbm>>) target_semaphore(%run_scoped3A : memref<!tpu.dma_semaphore, #tpu.memory_space<semaphore_mem>>)
      %dma_wait3A_181 = arith.constant 0 : i32
      %dma_wait3A_182 = tpu.memref_slice %arg4[%mul3A_2, %dma_wait3A_181] : memref<256x64xf32, #tpu.memory_space<hbm>> -> memref<8x64xf32, #tpu.memory_space<hbm>>
      %dma_wait3A_183 = arith.constant 0 : i32
      %dma_wait3A_184 = tpu.memref_slice %arg4[%mul3A_2, %dma_wait3A_183] : memref<256x64xf32, #tpu.memory_space<hbm>> -> memref<8x64xf32, #tpu.memory_space<hbm>>
      tpu.wait_dma2 semaphore(%run_scoped3A : memref<!tpu.dma_semaphore, #tpu.memory_space<semaphore_mem>>) src(%arg6 : memref<8x64xf32, #tpu.memory_space<vmem>>) dst(%dma_wait3A_184 : memref<8x64xf32, #tpu.memory_space<hbm>>)
      tpu.yield
    }) : () -> ()
    return
  }
}

module attributes {stable_mosaic.version = 14 : i64} {
  func.func @_fused_body(%arg0: memref<1x12800xf32, #tpu.memory_space<vmem>>, %arg1: memref<12800x128xf32, #tpu.memory_space<vmem>>, %arg2: memref<1x128xf32, #tpu.memory_space<vmem>>, %arg3: memref<1x100000xf32, #tpu.memory_space<vmem>>, %arg4: memref<128x1696xf32, #tpu.memory_space<vmem>>, %arg5: memref<128x100000xf32, #tpu.memory_space<hbm>>, %arg6: memref<1x100000xf32, #tpu.memory_space<vmem>>, %arg7: memref<128x8192xf32, #tpu.memory_space<vmem>>, %arg8: memref<128x8192xf32, #tpu.memory_space<vmem>>, %arg9: memref<128x8192xf32, #tpu.memory_space<vmem>>, %arg10: memref<!tpu.dma_semaphore, #tpu.memory_space<semaphore_mem>>, %arg11: memref<!tpu.dma_semaphore, #tpu.memory_space<semaphore_mem>>, %arg12: memref<!tpu.dma_semaphore, #tpu.memory_space<semaphore_mem>>, %arg13: memref<!tpu.dma_semaphore, #tpu.memory_space<semaphore_mem>>, %arg14: memref<!tpu.dma_semaphore, #tpu.memory_space<semaphore_mem>>, %arg15: memref<!tpu.dma_semaphore, #tpu.memory_space<semaphore_mem>>) attributes {dimension_semantics = [], scalar_prefetch = 0 : i64, scratch_operands = 9 : i64, tpu.core_type = #tpu.core_type<tc>} {
    %dma_start3A = arith.constant 0 : i32
    %dma_start3A_0 = arith.constant 0 : i32
    %dma_start3A_1 = tpu.memref_slice %arg7[%dma_start3A, %dma_start3A_0] : memref<128x8192xf32, #tpu.memory_space<vmem>> -> memref<64x8192xf32, #tpu.memory_space<vmem>>
    %dma_start3A_2 = arith.constant 0 : i32
    %dma_start3A_3 = arith.constant 0 : i32
    %dma_start3A_4 = tpu.memref_slice %arg5[%dma_start3A_2, %dma_start3A_3] : memref<128x100000xf32, #tpu.memory_space<hbm>> -> memref<64x8192xf32, #tpu.memory_space<hbm>>
    tpu.enqueue_dma source(%dma_start3A_4 : memref<64x8192xf32, #tpu.memory_space<hbm>>) target(%dma_start3A_1 : memref<64x8192xf32, #tpu.memory_space<vmem>>) target_semaphore(%arg10 : memref<!tpu.dma_semaphore, #tpu.memory_space<semaphore_mem>>)
    %dma_start3A_5 = arith.constant 64 : i32
    %dma_start3A_6 = arith.constant 0 : i32
    %dma_start3A_7 = tpu.memref_slice %arg7[%dma_start3A_5, %dma_start3A_6] : memref<128x8192xf32, #tpu.memory_space<vmem>> -> memref<64x8192xf32, #tpu.memory_space<vmem>>
    %dma_start3A_8 = arith.constant 64 : i32
    %dma_start3A_9 = arith.constant 0 : i32
    %dma_start3A_10 = tpu.memref_slice %arg5[%dma_start3A_8, %dma_start3A_9] : memref<128x100000xf32, #tpu.memory_space<hbm>> -> memref<64x8192xf32, #tpu.memory_space<hbm>>
    tpu.enqueue_dma source(%dma_start3A_10 : memref<64x8192xf32, #tpu.memory_space<hbm>>) target(%dma_start3A_7 : memref<64x8192xf32, #tpu.memory_space<vmem>>) target_semaphore(%arg11 : memref<!tpu.dma_semaphore, #tpu.memory_space<semaphore_mem>>)
    %dma_start3A_11 = arith.constant 0 : i32
    %dma_start3A_12 = arith.constant 0 : i32
    %dma_start3A_13 = tpu.memref_slice %arg8[%dma_start3A_11, %dma_start3A_12] : memref<128x8192xf32, #tpu.memory_space<vmem>> -> memref<64x8192xf32, #tpu.memory_space<vmem>>
    %dma_start3A_14 = arith.constant 0 : i32
    %dma_start3A_15 = arith.constant 8192 : i32
    %dma_start3A_16 = tpu.memref_slice %arg5[%dma_start3A_14, %dma_start3A_15] : memref<128x100000xf32, #tpu.memory_space<hbm>> -> memref<64x8192xf32, #tpu.memory_space<hbm>>
    tpu.enqueue_dma source(%dma_start3A_16 : memref<64x8192xf32, #tpu.memory_space<hbm>>) target(%dma_start3A_13 : memref<64x8192xf32, #tpu.memory_space<vmem>>) target_semaphore(%arg12 : memref<!tpu.dma_semaphore, #tpu.memory_space<semaphore_mem>>)
    %dma_start3A_17 = arith.constant 64 : i32
    %dma_start3A_18 = arith.constant 0 : i32
    %dma_start3A_19 = tpu.memref_slice %arg8[%dma_start3A_17, %dma_start3A_18] : memref<128x8192xf32, #tpu.memory_space<vmem>> -> memref<64x8192xf32, #tpu.memory_space<vmem>>
    %dma_start3A_20 = arith.constant 64 : i32
    %dma_start3A_21 = arith.constant 8192 : i32
    %dma_start3A_22 = tpu.memref_slice %arg5[%dma_start3A_20, %dma_start3A_21] : memref<128x100000xf32, #tpu.memory_space<hbm>> -> memref<64x8192xf32, #tpu.memory_space<hbm>>
    tpu.enqueue_dma source(%dma_start3A_22 : memref<64x8192xf32, #tpu.memory_space<hbm>>) target(%dma_start3A_19 : memref<64x8192xf32, #tpu.memory_space<vmem>>) target_semaphore(%arg13 : memref<!tpu.dma_semaphore, #tpu.memory_space<semaphore_mem>>)
    %dma_start3A_23 = arith.constant 0 : i32
    %dma_start3A_24 = arith.constant 0 : i32
    %dma_start3A_25 = tpu.memref_slice %arg9[%dma_start3A_23, %dma_start3A_24] : memref<128x8192xf32, #tpu.memory_space<vmem>> -> memref<64x8192xf32, #tpu.memory_space<vmem>>
    %dma_start3A_26 = arith.constant 0 : i32
    %dma_start3A_27 = arith.constant 16384 : i32
    %dma_start3A_28 = tpu.memref_slice %arg5[%dma_start3A_26, %dma_start3A_27] : memref<128x100000xf32, #tpu.memory_space<hbm>> -> memref<64x8192xf32, #tpu.memory_space<hbm>>
    tpu.enqueue_dma source(%dma_start3A_28 : memref<64x8192xf32, #tpu.memory_space<hbm>>) target(%dma_start3A_25 : memref<64x8192xf32, #tpu.memory_space<vmem>>) target_semaphore(%arg14 : memref<!tpu.dma_semaphore, #tpu.memory_space<semaphore_mem>>)
    %dma_start3A_29 = arith.constant 64 : i32
    %dma_start3A_30 = arith.constant 0 : i32
    %dma_start3A_31 = tpu.memref_slice %arg9[%dma_start3A_29, %dma_start3A_30] : memref<128x8192xf32, #tpu.memory_space<vmem>> -> memref<64x8192xf32, #tpu.memory_space<vmem>>
    %dma_start3A_32 = arith.constant 64 : i32
    %dma_start3A_33 = arith.constant 16384 : i32
    %dma_start3A_34 = tpu.memref_slice %arg5[%dma_start3A_32, %dma_start3A_33] : memref<128x100000xf32, #tpu.memory_space<hbm>> -> memref<64x8192xf32, #tpu.memory_space<hbm>>
    tpu.enqueue_dma source(%dma_start3A_34 : memref<64x8192xf32, #tpu.memory_space<hbm>>) target(%dma_start3A_31 : memref<64x8192xf32, #tpu.memory_space<vmem>>) target_semaphore(%arg15 : memref<!tpu.dma_semaphore, #tpu.memory_space<semaphore_mem>>)
    %get3A = arith.constant 0 : index
    %get3A_35 = arith.constant 0 : index
    %get3A_36 = vector.load %arg0[%get3A, %get3A_35] : memref<1x12800xf32, #tpu.memory_space<vmem>>, vector<1x12800xf32>
    %get3A_37 = arith.constant 0 : index
    %get3A_38 = arith.constant 0 : index
    %get3A_39 = vector.load %arg1[%get3A_37, %get3A_38] : memref<12800x128xf32, #tpu.memory_space<vmem>>, vector<12800x128xf32>
    %dot_general3A = arith.constant dense<0.000000e+00> : vector<1x128xf32>
    %dot_general3A_40 = tpu.matmul %get3A_36, %get3A_39, %dot_general3A {dimension_numbers = #tpu.dot_dimension_numbers<[1], [0], [0], [1], [0, 0, 1, 1], [], []>, transpose_lhs_hint = false} : vector<1x12800xf32>, vector<12800x128xf32>, vector<1x128xf32> -> vector<1x128xf32>
    %get3A_41 = arith.constant 0 : index
    %get3A_42 = arith.constant 0 : index
    %get3A_43 = vector.load %arg2[%get3A_41, %get3A_42] : memref<1x128xf32, #tpu.memory_space<vmem>>, vector<1x128xf32>
    %add3A = arith.addf %dot_general3A_40, %get3A_43 : vector<1x128xf32>
    %max3A = arith.constant 0.000000e+00 : f32
    %max3A_44 = vector.broadcast %max3A : f32 to vector<1x128xf32>
    %max3A_45 = arith.maximumf %add3A, %max3A_44 : vector<1x128xf32>
    %get3A_46 = arith.constant 0 : index
    %get3A_47 = arith.constant 0 : index
    %get3A_48 = vector.load %arg4[%get3A_46, %get3A_47] : memref<128x1696xf32, #tpu.memory_space<vmem>>, vector<128x1696xf32>
    %dot_general3A_49 = arith.constant dense<0.000000e+00> : vector<1x1696xf32>
    %dot_general3A_50 = tpu.matmul %max3A_45, %get3A_48, %dot_general3A_49 {dimension_numbers = #tpu.dot_dimension_numbers<[1], [0], [0], [1], [0, 0, 1, 1], [], []>, transpose_lhs_hint = false} : vector<1x128xf32>, vector<128x1696xf32>, vector<1x1696xf32> -> vector<1x1696xf32>
    %get3A_51 = arith.constant 0 : index
    %get3A_52 = arith.constant 98304 : index
    %get3A_53 = vector.load %arg3[%get3A_51, %get3A_52] : memref<1x100000xf32, #tpu.memory_space<vmem>>, vector<1x1696xf32>
    %add3A_54 = arith.addf %dot_general3A_50, %get3A_53 : vector<1x1696xf32>
    %swap3A = arith.constant 0 : index
    %swap3A_55 = arith.constant 98304 : index
    %swap3A_56 = vector.load %arg6[%swap3A, %swap3A_55] : memref<1x100000xf32, #tpu.memory_space<vmem>>, vector<1x1696xf32>
    tpu.vector_store %arg6[%swap3A, %swap3A_55], %add3A_54 {strides = array<i32>} : memref<1x100000xf32, #tpu.memory_space<vmem>>, vector<1x1696xf32>,
    %reduce_max3A = vector.shape_cast %add3A_54 : vector<1x1696xf32> to vector<1x1x1696xf32>
    %reduce_max3A_57 = arith.constant dense<0xFF800000> : vector<1xf32>
    %reduce_max3A_58 = vector.multi_reduction <maximumf>, %reduce_max3A, %reduce_max3A_57 [1, 2] : vector<1x1x1696xf32> to vector<1xf32>
    %reduce_max3A_59 = vector.shape_cast %reduce_max3A_58 : vector<1xf32> to vector<1x1x1xf32>
    %reduce_max3A_60 = vector.extract %reduce_max3A_59[0, 0, 0] : f32 from vector<1x1x1xf32>
    %sub3A = vector.broadcast %reduce_max3A_60 : f32 to vector<1x1696xf32>
    %sub3A_61 = arith.subf %add3A_54, %sub3A : vector<1x1696xf32>
    %exp3A = math.exp %sub3A_61 : vector<1x1696xf32>
    %reduce_sum3A = vector.shape_cast %exp3A : vector<1x1696xf32> to vector<1x1x1696xf32>
    %reduce_sum3A_62 = arith.constant dense<0.000000e+00> : vector<1xf32>
    %reduce_sum3A_63 = vector.multi_reduction <add>, %reduce_sum3A, %reduce_sum3A_62 [1, 2] : vector<1x1x1696xf32> to vector<1xf32>
    %reduce_sum3A_64 = vector.shape_cast %reduce_sum3A_63 : vector<1xf32> to vector<1x1x1xf32>
    %reduce_sum3A_65 = vector.extract %reduce_sum3A_64[0, 0, 0] : f32 from vector<1x1x1xf32>
    %dma_wait3A = arith.constant 0 : i32
    %dma_wait3A_66 = arith.constant 0 : i32
    %dma_wait3A_67 = tpu.memref_slice %arg7[%dma_wait3A, %dma_wait3A_66] : memref<128x8192xf32, #tpu.memory_space<vmem>> -> memref<64x8192xf32, #tpu.memory_space<vmem>>
    %dma_wait3A_68 = arith.constant 0 : i32
    %dma_wait3A_69 = arith.constant 0 : i32
    %dma_wait3A_70 = tpu.memref_slice %arg5[%dma_wait3A_68, %dma_wait3A_69] : memref<128x100000xf32, #tpu.memory_space<hbm>> -> memref<64x8192xf32, #tpu.memory_space<hbm>>
    tpu.wait_dma2 semaphore(%arg10 : memref<!tpu.dma_semaphore, #tpu.memory_space<semaphore_mem>>) src(%dma_wait3A_70 : memref<64x8192xf32, #tpu.memory_space<hbm>>) dst(%dma_wait3A_67 : memref<64x8192xf32, #tpu.memory_space<vmem>>)
    %dma_wait3A_71 = arith.constant 64 : i32
    %dma_wait3A_72 = arith.constant 0 : i32
    %dma_wait3A_73 = tpu.memref_slice %arg7[%dma_wait3A_71, %dma_wait3A_72] : memref<128x8192xf32, #tpu.memory_space<vmem>> -> memref<64x8192xf32, #tpu.memory_space<vmem>>
    %dma_wait3A_74 = arith.constant 64 : i32
    %dma_wait3A_75 = arith.constant 0 : i32
    %dma_wait3A_76 = tpu.memref_slice %arg5[%dma_wait3A_74, %dma_wait3A_75] : memref<128x100000xf32, #tpu.memory_space<hbm>> -> memref<64x8192xf32, #tpu.memory_space<hbm>>
    tpu.wait_dma2 semaphore(%arg11 : memref<!tpu.dma_semaphore, #tpu.memory_space<semaphore_mem>>) src(%dma_wait3A_76 : memref<64x8192xf32, #tpu.memory_space<hbm>>) dst(%dma_wait3A_73 : memref<64x8192xf32, #tpu.memory_space<vmem>>)
    %dma_start3A_77 = arith.constant 0 : i32
    %dma_start3A_78 = arith.constant 0 : i32
    %dma_start3A_79 = tpu.memref_slice %arg7[%dma_start3A_77, %dma_start3A_78] : memref<128x8192xf32, #tpu.memory_space<vmem>> -> memref<64x8192xf32, #tpu.memory_space<vmem>>
    %dma_start3A_80 = arith.constant 0 : i32
    %dma_start3A_81 = arith.constant 24576 : i32
    %dma_start3A_82 = tpu.memref_slice %arg5[%dma_start3A_80, %dma_start3A_81] : memref<128x100000xf32, #tpu.memory_space<hbm>> -> memref<64x8192xf32, #tpu.memory_space<hbm>>
    tpu.enqueue_dma source(%dma_start3A_82 : memref<64x8192xf32, #tpu.memory_space<hbm>>) target(%dma_start3A_79 : memref<64x8192xf32, #tpu.memory_space<vmem>>) target_semaphore(%arg10 : memref<!tpu.dma_semaphore, #tpu.memory_space<semaphore_mem>>)
    %dma_start3A_83 = arith.constant 64 : i32
    %dma_start3A_84 = arith.constant 0 : i32
    %dma_start3A_85 = tpu.memref_slice %arg7[%dma_start3A_83, %dma_start3A_84] : memref<128x8192xf32, #tpu.memory_space<vmem>> -> memref<64x8192xf32, #tpu.memory_space<vmem>>
    %dma_start3A_86 = arith.constant 64 : i32
    %dma_start3A_87 = arith.constant 24576 : i32
    %dma_start3A_88 = tpu.memref_slice %arg5[%dma_start3A_86, %dma_start3A_87] : memref<128x100000xf32, #tpu.memory_space<hbm>> -> memref<64x8192xf32, #tpu.memory_space<hbm>>
    tpu.enqueue_dma source(%dma_start3A_88 : memref<64x8192xf32, #tpu.memory_space<hbm>>) target(%dma_start3A_85 : memref<64x8192xf32, #tpu.memory_space<vmem>>) target_semaphore(%arg11 : memref<!tpu.dma_semaphore, #tpu.memory_space<semaphore_mem>>)
    %get3A_89 = arith.constant 0 : index
    %get3A_90 = arith.constant 0 : index
    %get3A_91 = vector.load %arg7[%get3A_89, %get3A_90] : memref<128x8192xf32, #tpu.memory_space<vmem>>, vector<128x8192xf32>
    %dot_general3A_92 = arith.constant dense<0.000000e+00> : vector<1x8192xf32>
    %dot_general3A_93 = tpu.matmul %max3A_45, %get3A_91, %dot_general3A_92 {dimension_numbers = #tpu.dot_dimension_numbers<[1], [0], [0], [1], [0, 0, 1, 1], [], []>, transpose_lhs_hint = false} : vector<1x128xf32>, vector<128x8192xf32>, vector<1x8192xf32> -> vector<1x8192xf32>
    %get3A_94 = arith.constant 0 : index
    %get3A_95 = arith.constant 0 : index
    %get3A_96 = vector.load %arg3[%get3A_94, %get3A_95] : memref<1x100000xf32, #tpu.memory_space<vmem>>, vector<1x8192xf32>
    %add3A_97 = arith.addf %dot_general3A_93, %get3A_96 : vector<1x8192xf32>
    %swap3A_98 = arith.constant 0 : index
    %swap3A_99 = arith.constant 0 : index
    %swap3A_100 = vector.load %arg6[%swap3A_98, %swap3A_99] : memref<1x100000xf32, #tpu.memory_space<vmem>>, vector<1x8192xf32>
    tpu.vector_store %arg6[%swap3A_98, %swap3A_99], %add3A_97 {strides = array<i32>} : memref<1x100000xf32, #tpu.memory_space<vmem>>, vector<1x8192xf32>,
    %reduce_max3A_101 = vector.shape_cast %add3A_97 : vector<1x8192xf32> to vector<1x1x8192xf32>
    %reduce_max3A_102 = arith.constant dense<0xFF800000> : vector<1xf32>
    %reduce_max3A_103 = vector.multi_reduction <maximumf>, %reduce_max3A_101, %reduce_max3A_102 [1, 2] : vector<1x1x8192xf32> to vector<1xf32>
    %reduce_max3A_104 = vector.shape_cast %reduce_max3A_103 : vector<1xf32> to vector<1x1x1xf32>
    %reduce_max3A_105 = vector.extract %reduce_max3A_104[0, 0, 0] : f32 from vector<1x1x1xf32>
    %max3A_106 = arith.maximumf %reduce_max3A_60, %reduce_max3A_105 : f32
    %sub3A_107 = arith.subf %reduce_max3A_60, %max3A_106 : f32
    %exp3A_108 = math.exp %sub3A_107 : f32
    %mul3A = arith.mulf %reduce_sum3A_65, %exp3A_108 : f32
    %sub3A_109 = vector.broadcast %max3A_106 : f32 to vector<1x8192xf32>
    %sub3A_110 = arith.subf %add3A_97, %sub3A_109 : vector<1x8192xf32>
    %exp3A_111 = math.exp %sub3A_110 : vector<1x8192xf32>
    %reduce_sum3A_112 = vector.shape_cast %exp3A_111 : vector<1x8192xf32> to vector<1x1x8192xf32>
    %reduce_sum3A_113 = arith.constant dense<0.000000e+00> : vector<1xf32>
    %reduce_sum3A_114 = vector.multi_reduction <add>, %reduce_sum3A_112, %reduce_sum3A_113 [1, 2] : vector<1x1x8192xf32> to vector<1xf32>
    %reduce_sum3A_115 = vector.shape_cast %reduce_sum3A_114 : vector<1xf32> to vector<1x1x1xf32>
    %reduce_sum3A_116 = vector.extract %reduce_sum3A_115[0, 0, 0] : f32 from vector<1x1x1xf32>
    %add3A_117 = arith.addf %mul3A, %reduce_sum3A_116 : f32
    %dma_wait3A_118 = arith.constant 0 : i32
    %dma_wait3A_119 = arith.constant 0 : i32
    %dma_wait3A_120 = tpu.memref_slice %arg8[%dma_wait3A_118, %dma_wait3A_119] : memref<128x8192xf32, #tpu.memory_space<vmem>> -> memref<64x8192xf32, #tpu.memory_space<vmem>>
    %dma_wait3A_121 = arith.constant 0 : i32
    %dma_wait3A_122 = arith.constant 8192 : i32
    %dma_wait3A_123 = tpu.memref_slice %arg5[%dma_wait3A_121, %dma_wait3A_122] : memref<128x100000xf32, #tpu.memory_space<hbm>> -> memref<64x8192xf32, #tpu.memory_space<hbm>>
    tpu.wait_dma2 semaphore(%arg12 : memref<!tpu.dma_semaphore, #tpu.memory_space<semaphore_mem>>) src(%dma_wait3A_123 : memref<64x8192xf32, #tpu.memory_space<hbm>>) dst(%dma_wait3A_120 : memref<64x8192xf32, #tpu.memory_space<vmem>>)
    %dma_wait3A_124 = arith.constant 64 : i32
    %dma_wait3A_125 = arith.constant 0 : i32
    %dma_wait3A_126 = tpu.memref_slice %arg8[%dma_wait3A_124, %dma_wait3A_125] : memref<128x8192xf32, #tpu.memory_space<vmem>> -> memref<64x8192xf32, #tpu.memory_space<vmem>>
    %dma_wait3A_127 = arith.constant 64 : i32
    %dma_wait3A_128 = arith.constant 8192 : i32
    %dma_wait3A_129 = tpu.memref_slice %arg5[%dma_wait3A_127, %dma_wait3A_128] : memref<128x100000xf32, #tpu.memory_space<hbm>> -> memref<64x8192xf32, #tpu.memory_space<hbm>>
    tpu.wait_dma2 semaphore(%arg13 : memref<!tpu.dma_semaphore, #tpu.memory_space<semaphore_mem>>) src(%dma_wait3A_129 : memref<64x8192xf32, #tpu.memory_space<hbm>>) dst(%dma_wait3A_126 : memref<64x8192xf32, #tpu.memory_space<vmem>>)
    %dma_start3A_130 = arith.constant 0 : i32
    %dma_start3A_131 = arith.constant 0 : i32
    %dma_start3A_132 = tpu.memref_slice %arg8[%dma_start3A_130, %dma_start3A_131] : memref<128x8192xf32, #tpu.memory_space<vmem>> -> memref<64x8192xf32, #tpu.memory_space<vmem>>
    %dma_start3A_133 = arith.constant 0 : i32
    %dma_start3A_134 = arith.constant 32768 : i32
    %dma_start3A_135 = tpu.memref_slice %arg5[%dma_start3A_133, %dma_start3A_134] : memref<128x100000xf32, #tpu.memory_space<hbm>> -> memref<64x8192xf32, #tpu.memory_space<hbm>>
    tpu.enqueue_dma source(%dma_start3A_135 : memref<64x8192xf32, #tpu.memory_space<hbm>>) target(%dma_start3A_132 : memref<64x8192xf32, #tpu.memory_space<vmem>>) target_semaphore(%arg12 : memref<!tpu.dma_semaphore, #tpu.memory_space<semaphore_mem>>)
    %dma_start3A_136 = arith.constant 64 : i32
    %dma_start3A_137 = arith.constant 0 : i32
    %dma_start3A_138 = tpu.memref_slice %arg8[%dma_start3A_136, %dma_start3A_137] : memref<128x8192xf32, #tpu.memory_space<vmem>> -> memref<64x8192xf32, #tpu.memory_space<vmem>>
    %dma_start3A_139 = arith.constant 64 : i32
    %dma_start3A_140 = arith.constant 32768 : i32
    %dma_start3A_141 = tpu.memref_slice %arg5[%dma_start3A_139, %dma_start3A_140] : memref<128x100000xf32, #tpu.memory_space<hbm>> -> memref<64x8192xf32, #tpu.memory_space<hbm>>
    tpu.enqueue_dma source(%dma_start3A_141 : memref<64x8192xf32, #tpu.memory_space<hbm>>) target(%dma_start3A_138 : memref<64x8192xf32, #tpu.memory_space<vmem>>) target_semaphore(%arg13 : memref<!tpu.dma_semaphore, #tpu.memory_space<semaphore_mem>>)
    %get3A_142 = arith.constant 0 : index
    %get3A_143 = arith.constant 0 : index
    %get3A_144 = vector.load %arg8[%get3A_142, %get3A_143] : memref<128x8192xf32, #tpu.memory_space<vmem>>, vector<128x8192xf32>
    %dot_general3A_145 = arith.constant dense<0.000000e+00> : vector<1x8192xf32>
    %dot_general3A_146 = tpu.matmul %max3A_45, %get3A_144, %dot_general3A_145 {dimension_numbers = #tpu.dot_dimension_numbers<[1], [0], [0], [1], [0, 0, 1, 1], [], []>, transpose_lhs_hint = false} : vector<1x128xf32>, vector<128x8192xf32>, vector<1x8192xf32> -> vector<1x8192xf32>
    %get3A_147 = arith.constant 0 : index
    %get3A_148 = arith.constant 8192 : index
    %get3A_149 = vector.load %arg3[%get3A_147, %get3A_148] : memref<1x100000xf32, #tpu.memory_space<vmem>>, vector<1x8192xf32>
    %add3A_150 = arith.addf %dot_general3A_146, %get3A_149 : vector<1x8192xf32>
    %swap3A_151 = arith.constant 0 : index
    %swap3A_152 = arith.constant 8192 : index
    %swap3A_153 = vector.load %arg6[%swap3A_151, %swap3A_152] : memref<1x100000xf32, #tpu.memory_space<vmem>>, vector<1x8192xf32>
    tpu.vector_store %arg6[%swap3A_151, %swap3A_152], %add3A_150 {strides = array<i32>} : memref<1x100000xf32, #tpu.memory_space<vmem>>, vector<1x8192xf32>,
    %reduce_max3A_154 = vector.shape_cast %add3A_150 : vector<1x8192xf32> to vector<1x1x8192xf32>
    %reduce_max3A_155 = arith.constant dense<0xFF800000> : vector<1xf32>
    %reduce_max3A_156 = vector.multi_reduction <maximumf>, %reduce_max3A_154, %reduce_max3A_155 [1, 2] : vector<1x1x8192xf32> to vector<1xf32>
    %reduce_max3A_157 = vector.shape_cast %reduce_max3A_156 : vector<1xf32> to vector<1x1x1xf32>
    %reduce_max3A_158 = vector.extract %reduce_max3A_157[0, 0, 0] : f32 from vector<1x1x1xf32>
    %max3A_159 = arith.maximumf %max3A_106, %reduce_max3A_158 : f32
    %sub3A_160 = arith.subf %max3A_106, %max3A_159 : f32
    %exp3A_161 = math.exp %sub3A_160 : f32
    %mul3A_162 = arith.mulf %add3A_117, %exp3A_161 : f32
    %sub3A_163 = vector.broadcast %max3A_159 : f32 to vector<1x8192xf32>
    %sub3A_164 = arith.subf %add3A_150, %sub3A_163 : vector<1x8192xf32>
    %exp3A_165 = math.exp %sub3A_164 : vector<1x8192xf32>
    %reduce_sum3A_166 = vector.shape_cast %exp3A_165 : vector<1x8192xf32> to vector<1x1x8192xf32>
    %reduce_sum3A_167 = arith.constant dense<0.000000e+00> : vector<1xf32>
    %reduce_sum3A_168 = vector.multi_reduction <add>, %reduce_sum3A_166, %reduce_sum3A_167 [1, 2] : vector<1x1x8192xf32> to vector<1xf32>
    %reduce_sum3A_169 = vector.shape_cast %reduce_sum3A_168 : vector<1xf32> to vector<1x1x1xf32>
    %reduce_sum3A_170 = vector.extract %reduce_sum3A_169[0, 0, 0] : f32 from vector<1x1x1xf32>
    %add3A_171 = arith.addf %mul3A_162, %reduce_sum3A_170 : f32
    %dma_wait3A_172 = arith.constant 0 : i32
    %dma_wait3A_173 = arith.constant 0 : i32
    %dma_wait3A_174 = tpu.memref_slice %arg9[%dma_wait3A_172, %dma_wait3A_173] : memref<128x8192xf32, #tpu.memory_space<vmem>> -> memref<64x8192xf32, #tpu.memory_space<vmem>>
    %dma_wait3A_175 = arith.constant 0 : i32
    %dma_wait3A_176 = arith.constant 16384 : i32
    %dma_wait3A_177 = tpu.memref_slice %arg5[%dma_wait3A_175, %dma_wait3A_176] : memref<128x100000xf32, #tpu.memory_space<hbm>> -> memref<64x8192xf32, #tpu.memory_space<hbm>>
    tpu.wait_dma2 semaphore(%arg14 : memref<!tpu.dma_semaphore, #tpu.memory_space<semaphore_mem>>) src(%dma_wait3A_177 : memref<64x8192xf32, #tpu.memory_space<hbm>>) dst(%dma_wait3A_174 : memref<64x8192xf32, #tpu.memory_space<vmem>>)
    %dma_wait3A_178 = arith.constant 64 : i32
    %dma_wait3A_179 = arith.constant 0 : i32
    %dma_wait3A_180 = tpu.memref_slice %arg9[%dma_wait3A_178, %dma_wait3A_179] : memref<128x8192xf32, #tpu.memory_space<vmem>> -> memref<64x8192xf32, #tpu.memory_space<vmem>>
    %dma_wait3A_181 = arith.constant 64 : i32
    %dma_wait3A_182 = arith.constant 16384 : i32
    %dma_wait3A_183 = tpu.memref_slice %arg5[%dma_wait3A_181, %dma_wait3A_182] : memref<128x100000xf32, #tpu.memory_space<hbm>> -> memref<64x8192xf32, #tpu.memory_space<hbm>>
    tpu.wait_dma2 semaphore(%arg15 : memref<!tpu.dma_semaphore, #tpu.memory_space<semaphore_mem>>) src(%dma_wait3A_183 : memref<64x8192xf32, #tpu.memory_space<hbm>>) dst(%dma_wait3A_180 : memref<64x8192xf32, #tpu.memory_space<vmem>>)
    %dma_start3A_184 = arith.constant 0 : i32
    %dma_start3A_185 = arith.constant 0 : i32
    %dma_start3A_186 = tpu.memref_slice %arg9[%dma_start3A_184, %dma_start3A_185] : memref<128x8192xf32, #tpu.memory_space<vmem>> -> memref<64x8192xf32, #tpu.memory_space<vmem>>
    %dma_start3A_187 = arith.constant 0 : i32
    %dma_start3A_188 = arith.constant 40960 : i32
    %dma_start3A_189 = tpu.memref_slice %arg5[%dma_start3A_187, %dma_start3A_188] : memref<128x100000xf32, #tpu.memory_space<hbm>> -> memref<64x8192xf32, #tpu.memory_space<hbm>>
    tpu.enqueue_dma source(%dma_start3A_189 : memref<64x8192xf32, #tpu.memory_space<hbm>>) target(%dma_start3A_186 : memref<64x8192xf32, #tpu.memory_space<vmem>>) target_semaphore(%arg14 : memref<!tpu.dma_semaphore, #tpu.memory_space<semaphore_mem>>)
    %dma_start3A_190 = arith.constant 64 : i32
    %dma_start3A_191 = arith.constant 0 : i32
    %dma_start3A_192 = tpu.memref_slice %arg9[%dma_start3A_190, %dma_start3A_191] : memref<128x8192xf32, #tpu.memory_space<vmem>> -> memref<64x8192xf32, #tpu.memory_space<vmem>>
    %dma_start3A_193 = arith.constant 64 : i32
    %dma_start3A_194 = arith.constant 40960 : i32
    %dma_start3A_195 = tpu.memref_slice %arg5[%dma_start3A_193, %dma_start3A_194] : memref<128x100000xf32, #tpu.memory_space<hbm>> -> memref<64x8192xf32, #tpu.memory_space<hbm>>
    tpu.enqueue_dma source(%dma_start3A_195 : memref<64x8192xf32, #tpu.memory_space<hbm>>) target(%dma_start3A_192 : memref<64x8192xf32, #tpu.memory_space<vmem>>) target_semaphore(%arg15 : memref<!tpu.dma_semaphore, #tpu.memory_space<semaphore_mem>>)
    %get3A_196 = arith.constant 0 : index
    %get3A_197 = arith.constant 0 : index
    %get3A_198 = vector.load %arg9[%get3A_196, %get3A_197] : memref<128x8192xf32, #tpu.memory_space<vmem>>, vector<128x8192xf32>
    %dot_general3A_199 = arith.constant dense<0.000000e+00> : vector<1x8192xf32>
    %dot_general3A_200 = tpu.matmul %max3A_45, %get3A_198, %dot_general3A_199 {dimension_numbers = #tpu.dot_dimension_numbers<[1], [0], [0], [1], [0, 0, 1, 1], [], []>, transpose_lhs_hint = false} : vector<1x128xf32>, vector<128x8192xf32>, vector<1x8192xf32> -> vector<1x8192xf32>
    %get3A_201 = arith.constant 0 : index
    %get3A_202 = arith.constant 16384 : index
    %get3A_203 = vector.load %arg3[%get3A_201, %get3A_202] : memref<1x100000xf32, #tpu.memory_space<vmem>>, vector<1x8192xf32>
    %add3A_204 = arith.addf %dot_general3A_200, %get3A_203 : vector<1x8192xf32>
    %swap3A_205 = arith.constant 0 : index
    %swap3A_206 = arith.constant 16384 : index
    %swap3A_207 = vector.load %arg6[%swap3A_205, %swap3A_206] : memref<1x100000xf32, #tpu.memory_space<vmem>>, vector<1x8192xf32>
    tpu.vector_store %arg6[%swap3A_205, %swap3A_206], %add3A_204 {strides = array<i32>} : memref<1x100000xf32, #tpu.memory_space<vmem>>, vector<1x8192xf32>,
    %reduce_max3A_208 = vector.shape_cast %add3A_204 : vector<1x8192xf32> to vector<1x1x8192xf32>
    %reduce_max3A_209 = arith.constant dense<0xFF800000> : vector<1xf32>
    %reduce_max3A_210 = vector.multi_reduction <maximumf>, %reduce_max3A_208, %reduce_max3A_209 [1, 2] : vector<1x1x8192xf32> to vector<1xf32>
    %reduce_max3A_211 = vector.shape_cast %reduce_max3A_210 : vector<1xf32> to vector<1x1x1xf32>
    %reduce_max3A_212 = vector.extract %reduce_max3A_211[0, 0, 0] : f32 from vector<1x1x1xf32>
    %max3A_213 = arith.maximumf %max3A_159, %reduce_max3A_212 : f32
    %sub3A_214 = arith.subf %max3A_159, %max3A_213 : f32
    %exp3A_215 = math.exp %sub3A_214 : f32
    %mul3A_216 = arith.mulf %add3A_171, %exp3A_215 : f32
    %sub3A_217 = vector.broadcast %max3A_213 : f32 to vector<1x8192xf32>
    %sub3A_218 = arith.subf %add3A_204, %sub3A_217 : vector<1x8192xf32>
    %exp3A_219 = math.exp %sub3A_218 : vector<1x8192xf32>
    %reduce_sum3A_220 = vector.shape_cast %exp3A_219 : vector<1x8192xf32> to vector<1x1x8192xf32>
    %reduce_sum3A_221 = arith.constant dense<0.000000e+00> : vector<1xf32>
    %reduce_sum3A_222 = vector.multi_reduction <add>, %reduce_sum3A_220, %reduce_sum3A_221 [1, 2] : vector<1x1x8192xf32> to vector<1xf32>
    %reduce_sum3A_223 = vector.shape_cast %reduce_sum3A_222 : vector<1xf32> to vector<1x1x1xf32>
    %reduce_sum3A_224 = vector.extract %reduce_sum3A_223[0, 0, 0] : f32 from vector<1x1x1xf32>
    %add3A_225 = arith.addf %mul3A_216, %reduce_sum3A_224 : f32
    %dma_wait3A_226 = arith.constant 0 : i32
    %dma_wait3A_227 = arith.constant 0 : i32
    %dma_wait3A_228 = tpu.memref_slice %arg7[%dma_wait3A_226, %dma_wait3A_227] : memref<128x8192xf32, #tpu.memory_space<vmem>> -> memref<64x8192xf32, #tpu.memory_space<vmem>>
    %dma_wait3A_229 = arith.constant 0 : i32
    %dma_wait3A_230 = arith.constant 24576 : i32
    %dma_wait3A_231 = tpu.memref_slice %arg5[%dma_wait3A_229, %dma_wait3A_230] : memref<128x100000xf32, #tpu.memory_space<hbm>> -> memref<64x8192xf32, #tpu.memory_space<hbm>>
    tpu.wait_dma2 semaphore(%arg10 : memref<!tpu.dma_semaphore, #tpu.memory_space<semaphore_mem>>) src(%dma_wait3A_231 : memref<64x8192xf32, #tpu.memory_space<hbm>>) dst(%dma_wait3A_228 : memref<64x8192xf32, #tpu.memory_space<vmem>>)
    %dma_wait3A_232 = arith.constant 64 : i32
    %dma_wait3A_233 = arith.constant 0 : i32
    %dma_wait3A_234 = tpu.memref_slice %arg7[%dma_wait3A_232, %dma_wait3A_233] : memref<128x8192xf32, #tpu.memory_space<vmem>> -> memref<64x8192xf32, #tpu.memory_space<vmem>>
    %dma_wait3A_235 = arith.constant 64 : i32
    %dma_wait3A_236 = arith.constant 24576 : i32
    %dma_wait3A_237 = tpu.memref_slice %arg5[%dma_wait3A_235, %dma_wait3A_236] : memref<128x100000xf32, #tpu.memory_space<hbm>> -> memref<64x8192xf32, #tpu.memory_space<hbm>>
    tpu.wait_dma2 semaphore(%arg11 : memref<!tpu.dma_semaphore, #tpu.memory_space<semaphore_mem>>) src(%dma_wait3A_237 : memref<64x8192xf32, #tpu.memory_space<hbm>>) dst(%dma_wait3A_234 : memref<64x8192xf32, #tpu.memory_space<vmem>>)
    %dma_start3A_238 = arith.constant 0 : i32
    %dma_start3A_239 = arith.constant 0 : i32
    %dma_start3A_240 = tpu.memref_slice %arg7[%dma_start3A_238, %dma_start3A_239] : memref<128x8192xf32, #tpu.memory_space<vmem>> -> memref<64x8192xf32, #tpu.memory_space<vmem>>
    %dma_start3A_241 = arith.constant 0 : i32
    %dma_start3A_242 = arith.constant 49152 : i32
    %dma_start3A_243 = tpu.memref_slice %arg5[%dma_start3A_241, %dma_start3A_242] : memref<128x100000xf32, #tpu.memory_space<hbm>> -> memref<64x8192xf32, #tpu.memory_space<hbm>>
    tpu.enqueue_dma source(%dma_start3A_243 : memref<64x8192xf32, #tpu.memory_space<hbm>>) target(%dma_start3A_240 : memref<64x8192xf32, #tpu.memory_space<vmem>>) target_semaphore(%arg10 : memref<!tpu.dma_semaphore, #tpu.memory_space<semaphore_mem>>)
    %dma_start3A_244 = arith.constant 64 : i32
    %dma_start3A_245 = arith.constant 0 : i32
    %dma_start3A_246 = tpu.memref_slice %arg7[%dma_start3A_244, %dma_start3A_245] : memref<128x8192xf32, #tpu.memory_space<vmem>> -> memref<64x8192xf32, #tpu.memory_space<vmem>>
    %dma_start3A_247 = arith.constant 64 : i32
    %dma_start3A_248 = arith.constant 49152 : i32
    %dma_start3A_249 = tpu.memref_slice %arg5[%dma_start3A_247, %dma_start3A_248] : memref<128x100000xf32, #tpu.memory_space<hbm>> -> memref<64x8192xf32, #tpu.memory_space<hbm>>
    tpu.enqueue_dma source(%dma_start3A_249 : memref<64x8192xf32, #tpu.memory_space<hbm>>) target(%dma_start3A_246 : memref<64x8192xf32, #tpu.memory_space<vmem>>) target_semaphore(%arg11 : memref<!tpu.dma_semaphore, #tpu.memory_space<semaphore_mem>>)
    %get3A_250 = arith.constant 0 : index
    %get3A_251 = arith.constant 0 : index
    %get3A_252 = vector.load %arg7[%get3A_250, %get3A_251] : memref<128x8192xf32, #tpu.memory_space<vmem>>, vector<128x8192xf32>
    %dot_general3A_253 = arith.constant dense<0.000000e+00> : vector<1x8192xf32>
    %dot_general3A_254 = tpu.matmul %max3A_45, %get3A_252, %dot_general3A_253 {dimension_numbers = #tpu.dot_dimension_numbers<[1], [0], [0], [1], [0, 0, 1, 1], [], []>, transpose_lhs_hint = false} : vector<1x128xf32>, vector<128x8192xf32>, vector<1x8192xf32> -> vector<1x8192xf32>
    %get3A_255 = arith.constant 0 : index
    %get3A_256 = arith.constant 24576 : index
    %get3A_257 = vector.load %arg3[%get3A_255, %get3A_256] : memref<1x100000xf32, #tpu.memory_space<vmem>>, vector<1x8192xf32>
    %add3A_258 = arith.addf %dot_general3A_254, %get3A_257 : vector<1x8192xf32>
    %swap3A_259 = arith.constant 0 : index
    %swap3A_260 = arith.constant 24576 : index
    %swap3A_261 = vector.load %arg6[%swap3A_259, %swap3A_260] : memref<1x100000xf32, #tpu.memory_space<vmem>>, vector<1x8192xf32>
    tpu.vector_store %arg6[%swap3A_259, %swap3A_260], %add3A_258 {strides = array<i32>} : memref<1x100000xf32, #tpu.memory_space<vmem>>, vector<1x8192xf32>,
    %reduce_max3A_262 = vector.shape_cast %add3A_258 : vector<1x8192xf32> to vector<1x1x8192xf32>
    %reduce_max3A_263 = arith.constant dense<0xFF800000> : vector<1xf32>
    %reduce_max3A_264 = vector.multi_reduction <maximumf>, %reduce_max3A_262, %reduce_max3A_263 [1, 2] : vector<1x1x8192xf32> to vector<1xf32>
    %reduce_max3A_265 = vector.shape_cast %reduce_max3A_264 : vector<1xf32> to vector<1x1x1xf32>
    %reduce_max3A_266 = vector.extract %reduce_max3A_265[0, 0, 0] : f32 from vector<1x1x1xf32>
    %max3A_267 = arith.maximumf %max3A_213, %reduce_max3A_266 : f32
    %sub3A_268 = arith.subf %max3A_213, %max3A_267 : f32
    %exp3A_269 = math.exp %sub3A_268 : f32
    %mul3A_270 = arith.mulf %add3A_225, %exp3A_269 : f32
    %sub3A_271 = vector.broadcast %max3A_267 : f32 to vector<1x8192xf32>
    %sub3A_272 = arith.subf %add3A_258, %sub3A_271 : vector<1x8192xf32>
    %exp3A_273 = math.exp %sub3A_272 : vector<1x8192xf32>
    %reduce_sum3A_274 = vector.shape_cast %exp3A_273 : vector<1x8192xf32> to vector<1x1x8192xf32>
    %reduce_sum3A_275 = arith.constant dense<0.000000e+00> : vector<1xf32>
    %reduce_sum3A_276 = vector.multi_reduction <add>, %reduce_sum3A_274, %reduce_sum3A_275 [1, 2] : vector<1x1x8192xf32> to vector<1xf32>
    %reduce_sum3A_277 = vector.shape_cast %reduce_sum3A_276 : vector<1xf32> to vector<1x1x1xf32>
    %reduce_sum3A_278 = vector.extract %reduce_sum3A_277[0, 0, 0] : f32 from vector<1x1x1xf32>
    %add3A_279 = arith.addf %mul3A_270, %reduce_sum3A_278 : f32
    %dma_wait3A_280 = arith.constant 0 : i32
    %dma_wait3A_281 = arith.constant 0 : i32
    %dma_wait3A_282 = tpu.memref_slice %arg8[%dma_wait3A_280, %dma_wait3A_281] : memref<128x8192xf32, #tpu.memory_space<vmem>> -> memref<64x8192xf32, #tpu.memory_space<vmem>>
    %dma_wait3A_283 = arith.constant 0 : i32
    %dma_wait3A_284 = arith.constant 32768 : i32
    %dma_wait3A_285 = tpu.memref_slice %arg5[%dma_wait3A_283, %dma_wait3A_284] : memref<128x100000xf32, #tpu.memory_space<hbm>> -> memref<64x8192xf32, #tpu.memory_space<hbm>>
    tpu.wait_dma2 semaphore(%arg12 : memref<!tpu.dma_semaphore, #tpu.memory_space<semaphore_mem>>) src(%dma_wait3A_285 : memref<64x8192xf32, #tpu.memory_space<hbm>>) dst(%dma_wait3A_282 : memref<64x8192xf32, #tpu.memory_space<vmem>>)
    %dma_wait3A_286 = arith.constant 64 : i32
    %dma_wait3A_287 = arith.constant 0 : i32
    %dma_wait3A_288 = tpu.memref_slice %arg8[%dma_wait3A_286, %dma_wait3A_287] : memref<128x8192xf32, #tpu.memory_space<vmem>> -> memref<64x8192xf32, #tpu.memory_space<vmem>>
    %dma_wait3A_289 = arith.constant 64 : i32
    %dma_wait3A_290 = arith.constant 32768 : i32
    %dma_wait3A_291 = tpu.memref_slice %arg5[%dma_wait3A_289, %dma_wait3A_290] : memref<128x100000xf32, #tpu.memory_space<hbm>> -> memref<64x8192xf32, #tpu.memory_space<hbm>>
    tpu.wait_dma2 semaphore(%arg13 : memref<!tpu.dma_semaphore, #tpu.memory_space<semaphore_mem>>) src(%dma_wait3A_291 : memref<64x8192xf32, #tpu.memory_space<hbm>>) dst(%dma_wait3A_288 : memref<64x8192xf32, #tpu.memory_space<vmem>>)
    %dma_start3A_292 = arith.constant 0 : i32
    %dma_start3A_293 = arith.constant 0 : i32
    %dma_start3A_294 = tpu.memref_slice %arg8[%dma_start3A_292, %dma_start3A_293] : memref<128x8192xf32, #tpu.memory_space<vmem>> -> memref<64x8192xf32, #tpu.memory_space<vmem>>
    %dma_start3A_295 = arith.constant 0 : i32
    %dma_start3A_296 = arith.constant 57344 : i32
    %dma_start3A_297 = tpu.memref_slice %arg5[%dma_start3A_295, %dma_start3A_296] : memref<128x100000xf32, #tpu.memory_space<hbm>> -> memref<64x8192xf32, #tpu.memory_space<hbm>>
    tpu.enqueue_dma source(%dma_start3A_297 : memref<64x8192xf32, #tpu.memory_space<hbm>>) target(%dma_start3A_294 : memref<64x8192xf32, #tpu.memory_space<vmem>>) target_semaphore(%arg12 : memref<!tpu.dma_semaphore, #tpu.memory_space<semaphore_mem>>)
    %dma_start3A_298 = arith.constant 64 : i32
    %dma_start3A_299 = arith.constant 0 : i32
    %dma_start3A_300 = tpu.memref_slice %arg8[%dma_start3A_298, %dma_start3A_299] : memref<128x8192xf32, #tpu.memory_space<vmem>> -> memref<64x8192xf32, #tpu.memory_space<vmem>>
    %dma_start3A_301 = arith.constant 64 : i32
    %dma_start3A_302 = arith.constant 57344 : i32
    %dma_start3A_303 = tpu.memref_slice %arg5[%dma_start3A_301, %dma_start3A_302] : memref<128x100000xf32, #tpu.memory_space<hbm>> -> memref<64x8192xf32, #tpu.memory_space<hbm>>
    tpu.enqueue_dma source(%dma_start3A_303 : memref<64x8192xf32, #tpu.memory_space<hbm>>) target(%dma_start3A_300 : memref<64x8192xf32, #tpu.memory_space<vmem>>) target_semaphore(%arg13 : memref<!tpu.dma_semaphore, #tpu.memory_space<semaphore_mem>>)
    %get3A_304 = arith.constant 0 : index
    %get3A_305 = arith.constant 0 : index
    %get3A_306 = vector.load %arg8[%get3A_304, %get3A_305] : memref<128x8192xf32, #tpu.memory_space<vmem>>, vector<128x8192xf32>
    %dot_general3A_307 = arith.constant dense<0.000000e+00> : vector<1x8192xf32>
    %dot_general3A_308 = tpu.matmul %max3A_45, %get3A_306, %dot_general3A_307 {dimension_numbers = #tpu.dot_dimension_numbers<[1], [0], [0], [1], [0, 0, 1, 1], [], []>, transpose_lhs_hint = false} : vector<1x128xf32>, vector<128x8192xf32>, vector<1x8192xf32> -> vector<1x8192xf32>
    %get3A_309 = arith.constant 0 : index
    %get3A_310 = arith.constant 32768 : index
    %get3A_311 = vector.load %arg3[%get3A_309, %get3A_310] : memref<1x100000xf32, #tpu.memory_space<vmem>>, vector<1x8192xf32>
    %add3A_312 = arith.addf %dot_general3A_308, %get3A_311 : vector<1x8192xf32>
    %swap3A_313 = arith.constant 0 : index
    %swap3A_314 = arith.constant 32768 : index
    %swap3A_315 = vector.load %arg6[%swap3A_313, %swap3A_314] : memref<1x100000xf32, #tpu.memory_space<vmem>>, vector<1x8192xf32>
    tpu.vector_store %arg6[%swap3A_313, %swap3A_314], %add3A_312 {strides = array<i32>} : memref<1x100000xf32, #tpu.memory_space<vmem>>, vector<1x8192xf32>,
    %reduce_max3A_316 = vector.shape_cast %add3A_312 : vector<1x8192xf32> to vector<1x1x8192xf32>
    %reduce_max3A_317 = arith.constant dense<0xFF800000> : vector<1xf32>
    %reduce_max3A_318 = vector.multi_reduction <maximumf>, %reduce_max3A_316, %reduce_max3A_317 [1, 2] : vector<1x1x8192xf32> to vector<1xf32>
    %reduce_max3A_319 = vector.shape_cast %reduce_max3A_318 : vector<1xf32> to vector<1x1x1xf32>
    %reduce_max3A_320 = vector.extract %reduce_max3A_319[0, 0, 0] : f32 from vector<1x1x1xf32>
    %max3A_321 = arith.maximumf %max3A_267, %reduce_max3A_320 : f32
    %sub3A_322 = arith.subf %max3A_267, %max3A_321 : f32
    %exp3A_323 = math.exp %sub3A_322 : f32
    %mul3A_324 = arith.mulf %add3A_279, %exp3A_323 : f32
    %sub3A_325 = vector.broadcast %max3A_321 : f32 to vector<1x8192xf32>
    %sub3A_326 = arith.subf %add3A_312, %sub3A_325 : vector<1x8192xf32>
    %exp3A_327 = math.exp %sub3A_326 : vector<1x8192xf32>
    %reduce_sum3A_328 = vector.shape_cast %exp3A_327 : vector<1x8192xf32> to vector<1x1x8192xf32>
    %reduce_sum3A_329 = arith.constant dense<0.000000e+00> : vector<1xf32>
    %reduce_sum3A_330 = vector.multi_reduction <add>, %reduce_sum3A_328, %reduce_sum3A_329 [1, 2] : vector<1x1x8192xf32> to vector<1xf32>
    %reduce_sum3A_331 = vector.shape_cast %reduce_sum3A_330 : vector<1xf32> to vector<1x1x1xf32>
    %reduce_sum3A_332 = vector.extract %reduce_sum3A_331[0, 0, 0] : f32 from vector<1x1x1xf32>
    %add3A_333 = arith.addf %mul3A_324, %reduce_sum3A_332 : f32
    %dma_wait3A_334 = arith.constant 0 : i32
    %dma_wait3A_335 = arith.constant 0 : i32
    %dma_wait3A_336 = tpu.memref_slice %arg9[%dma_wait3A_334, %dma_wait3A_335] : memref<128x8192xf32, #tpu.memory_space<vmem>> -> memref<64x8192xf32, #tpu.memory_space<vmem>>
    %dma_wait3A_337 = arith.constant 0 : i32
    %dma_wait3A_338 = arith.constant 40960 : i32
    %dma_wait3A_339 = tpu.memref_slice %arg5[%dma_wait3A_337, %dma_wait3A_338] : memref<128x100000xf32, #tpu.memory_space<hbm>> -> memref<64x8192xf32, #tpu.memory_space<hbm>>
    tpu.wait_dma2 semaphore(%arg14 : memref<!tpu.dma_semaphore, #tpu.memory_space<semaphore_mem>>) src(%dma_wait3A_339 : memref<64x8192xf32, #tpu.memory_space<hbm>>) dst(%dma_wait3A_336 : memref<64x8192xf32, #tpu.memory_space<vmem>>)
    %dma_wait3A_340 = arith.constant 64 : i32
    %dma_wait3A_341 = arith.constant 0 : i32
    %dma_wait3A_342 = tpu.memref_slice %arg9[%dma_wait3A_340, %dma_wait3A_341] : memref<128x8192xf32, #tpu.memory_space<vmem>> -> memref<64x8192xf32, #tpu.memory_space<vmem>>
    %dma_wait3A_343 = arith.constant 64 : i32
    %dma_wait3A_344 = arith.constant 40960 : i32
    %dma_wait3A_345 = tpu.memref_slice %arg5[%dma_wait3A_343, %dma_wait3A_344] : memref<128x100000xf32, #tpu.memory_space<hbm>> -> memref<64x8192xf32, #tpu.memory_space<hbm>>
    tpu.wait_dma2 semaphore(%arg15 : memref<!tpu.dma_semaphore, #tpu.memory_space<semaphore_mem>>) src(%dma_wait3A_345 : memref<64x8192xf32, #tpu.memory_space<hbm>>) dst(%dma_wait3A_342 : memref<64x8192xf32, #tpu.memory_space<vmem>>)
    %dma_start3A_346 = arith.constant 0 : i32
    %dma_start3A_347 = arith.constant 0 : i32
    %dma_start3A_348 = tpu.memref_slice %arg9[%dma_start3A_346, %dma_start3A_347] : memref<128x8192xf32, #tpu.memory_space<vmem>> -> memref<64x8192xf32, #tpu.memory_space<vmem>>
    %dma_start3A_349 = arith.constant 0 : i32
    %dma_start3A_350 = arith.constant 65536 : i32
    %dma_start3A_351 = tpu.memref_slice %arg5[%dma_start3A_349, %dma_start3A_350] : memref<128x100000xf32, #tpu.memory_space<hbm>> -> memref<64x8192xf32, #tpu.memory_space<hbm>>
    tpu.enqueue_dma source(%dma_start3A_351 : memref<64x8192xf32, #tpu.memory_space<hbm>>) target(%dma_start3A_348 : memref<64x8192xf32, #tpu.memory_space<vmem>>) target_semaphore(%arg14 : memref<!tpu.dma_semaphore, #tpu.memory_space<semaphore_mem>>)
    %dma_start3A_352 = arith.constant 64 : i32
    %dma_start3A_353 = arith.constant 0 : i32
    %dma_start3A_354 = tpu.memref_slice %arg9[%dma_start3A_352, %dma_start3A_353] : memref<128x8192xf32, #tpu.memory_space<vmem>> -> memref<64x8192xf32, #tpu.memory_space<vmem>>
    %dma_start3A_355 = arith.constant 64 : i32
    %dma_start3A_356 = arith.constant 65536 : i32
    %dma_start3A_357 = tpu.memref_slice %arg5[%dma_start3A_355, %dma_start3A_356] : memref<128x100000xf32, #tpu.memory_space<hbm>> -> memref<64x8192xf32, #tpu.memory_space<hbm>>
    tpu.enqueue_dma source(%dma_start3A_357 : memref<64x8192xf32, #tpu.memory_space<hbm>>) target(%dma_start3A_354 : memref<64x8192xf32, #tpu.memory_space<vmem>>) target_semaphore(%arg15 : memref<!tpu.dma_semaphore, #tpu.memory_space<semaphore_mem>>)
    %get3A_358 = arith.constant 0 : index
    %get3A_359 = arith.constant 0 : index
    %get3A_360 = vector.load %arg9[%get3A_358, %get3A_359] : memref<128x8192xf32, #tpu.memory_space<vmem>>, vector<128x8192xf32>
    %dot_general3A_361 = arith.constant dense<0.000000e+00> : vector<1x8192xf32>
    %dot_general3A_362 = tpu.matmul %max3A_45, %get3A_360, %dot_general3A_361 {dimension_numbers = #tpu.dot_dimension_numbers<[1], [0], [0], [1], [0, 0, 1, 1], [], []>, transpose_lhs_hint = false} : vector<1x128xf32>, vector<128x8192xf32>, vector<1x8192xf32> -> vector<1x8192xf32>
    %get3A_363 = arith.constant 0 : index
    %get3A_364 = arith.constant 40960 : index
    %get3A_365 = vector.load %arg3[%get3A_363, %get3A_364] : memref<1x100000xf32, #tpu.memory_space<vmem>>, vector<1x8192xf32>
    %add3A_366 = arith.addf %dot_general3A_362, %get3A_365 : vector<1x8192xf32>
    %swap3A_367 = arith.constant 0 : index
    %swap3A_368 = arith.constant 40960 : index
    %swap3A_369 = vector.load %arg6[%swap3A_367, %swap3A_368] : memref<1x100000xf32, #tpu.memory_space<vmem>>, vector<1x8192xf32>
    tpu.vector_store %arg6[%swap3A_367, %swap3A_368], %add3A_366 {strides = array<i32>} : memref<1x100000xf32, #tpu.memory_space<vmem>>, vector<1x8192xf32>,
    %reduce_max3A_370 = vector.shape_cast %add3A_366 : vector<1x8192xf32> to vector<1x1x8192xf32>
    %reduce_max3A_371 = arith.constant dense<0xFF800000> : vector<1xf32>
    %reduce_max3A_372 = vector.multi_reduction <maximumf>, %reduce_max3A_370, %reduce_max3A_371 [1, 2] : vector<1x1x8192xf32> to vector<1xf32>
    %reduce_max3A_373 = vector.shape_cast %reduce_max3A_372 : vector<1xf32> to vector<1x1x1xf32>
    %reduce_max3A_374 = vector.extract %reduce_max3A_373[0, 0, 0] : f32 from vector<1x1x1xf32>
    %max3A_375 = arith.maximumf %max3A_321, %reduce_max3A_374 : f32
    %sub3A_376 = arith.subf %max3A_321, %max3A_375 : f32
    %exp3A_377 = math.exp %sub3A_376 : f32
    %mul3A_378 = arith.mulf %add3A_333, %exp3A_377 : f32
    %sub3A_379 = vector.broadcast %max3A_375 : f32 to vector<1x8192xf32>
    %sub3A_380 = arith.subf %add3A_366, %sub3A_379 : vector<1x8192xf32>
    %exp3A_381 = math.exp %sub3A_380 : vector<1x8192xf32>
    %reduce_sum3A_382 = vector.shape_cast %exp3A_381 : vector<1x8192xf32> to vector<1x1x8192xf32>
    %reduce_sum3A_383 = arith.constant dense<0.000000e+00> : vector<1xf32>
    %reduce_sum3A_384 = vector.multi_reduction <add>, %reduce_sum3A_382, %reduce_sum3A_383 [1, 2] : vector<1x1x8192xf32> to vector<1xf32>
    %reduce_sum3A_385 = vector.shape_cast %reduce_sum3A_384 : vector<1xf32> to vector<1x1x1xf32>
    %reduce_sum3A_386 = vector.extract %reduce_sum3A_385[0, 0, 0] : f32 from vector<1x1x1xf32>
    %add3A_387 = arith.addf %mul3A_378, %reduce_sum3A_386 : f32
    %dma_wait3A_388 = arith.constant 0 : i32
    %dma_wait3A_389 = arith.constant 0 : i32
    %dma_wait3A_390 = tpu.memref_slice %arg7[%dma_wait3A_388, %dma_wait3A_389] : memref<128x8192xf32, #tpu.memory_space<vmem>> -> memref<64x8192xf32, #tpu.memory_space<vmem>>
    %dma_wait3A_391 = arith.constant 0 : i32
    %dma_wait3A_392 = arith.constant 49152 : i32
    %dma_wait3A_393 = tpu.memref_slice %arg5[%dma_wait3A_391, %dma_wait3A_392] : memref<128x100000xf32, #tpu.memory_space<hbm>> -> memref<64x8192xf32, #tpu.memory_space<hbm>>
    tpu.wait_dma2 semaphore(%arg10 : memref<!tpu.dma_semaphore, #tpu.memory_space<semaphore_mem>>) src(%dma_wait3A_393 : memref<64x8192xf32, #tpu.memory_space<hbm>>) dst(%dma_wait3A_390 : memref<64x8192xf32, #tpu.memory_space<vmem>>)
    %dma_wait3A_394 = arith.constant 64 : i32
    %dma_wait3A_395 = arith.constant 0 : i32
    %dma_wait3A_396 = tpu.memref_slice %arg7[%dma_wait3A_394, %dma_wait3A_395] : memref<128x8192xf32, #tpu.memory_space<vmem>> -> memref<64x8192xf32, #tpu.memory_space<vmem>>
    %dma_wait3A_397 = arith.constant 64 : i32
    %dma_wait3A_398 = arith.constant 49152 : i32
    %dma_wait3A_399 = tpu.memref_slice %arg5[%dma_wait3A_397, %dma_wait3A_398] : memref<128x100000xf32, #tpu.memory_space<hbm>> -> memref<64x8192xf32, #tpu.memory_space<hbm>>
    tpu.wait_dma2 semaphore(%arg11 : memref<!tpu.dma_semaphore, #tpu.memory_space<semaphore_mem>>) src(%dma_wait3A_399 : memref<64x8192xf32, #tpu.memory_space<hbm>>) dst(%dma_wait3A_396 : memref<64x8192xf32, #tpu.memory_space<vmem>>)
    %dma_start3A_400 = arith.constant 0 : i32
    %dma_start3A_401 = arith.constant 0 : i32
    %dma_start3A_402 = tpu.memref_slice %arg7[%dma_start3A_400, %dma_start3A_401] : memref<128x8192xf32, #tpu.memory_space<vmem>> -> memref<64x8192xf32, #tpu.memory_space<vmem>>
    %dma_start3A_403 = arith.constant 0 : i32
    %dma_start3A_404 = arith.constant 73728 : i32
    %dma_start3A_405 = tpu.memref_slice %arg5[%dma_start3A_403, %dma_start3A_404] : memref<128x100000xf32, #tpu.memory_space<hbm>> -> memref<64x8192xf32, #tpu.memory_space<hbm>>
    tpu.enqueue_dma source(%dma_start3A_405 : memref<64x8192xf32, #tpu.memory_space<hbm>>) target(%dma_start3A_402 : memref<64x8192xf32, #tpu.memory_space<vmem>>) target_semaphore(%arg10 : memref<!tpu.dma_semaphore, #tpu.memory_space<semaphore_mem>>)
    %dma_start3A_406 = arith.constant 64 : i32
    %dma_start3A_407 = arith.constant 0 : i32
    %dma_start3A_408 = tpu.memref_slice %arg7[%dma_start3A_406, %dma_start3A_407] : memref<128x8192xf32, #tpu.memory_space<vmem>> -> memref<64x8192xf32, #tpu.memory_space<vmem>>
    %dma_start3A_409 = arith.constant 64 : i32
    %dma_start3A_410 = arith.constant 73728 : i32
    %dma_start3A_411 = tpu.memref_slice %arg5[%dma_start3A_409, %dma_start3A_410] : memref<128x100000xf32, #tpu.memory_space<hbm>> -> memref<64x8192xf32, #tpu.memory_space<hbm>>
    tpu.enqueue_dma source(%dma_start3A_411 : memref<64x8192xf32, #tpu.memory_space<hbm>>) target(%dma_start3A_408 : memref<64x8192xf32, #tpu.memory_space<vmem>>) target_semaphore(%arg11 : memref<!tpu.dma_semaphore, #tpu.memory_space<semaphore_mem>>)
    %get3A_412 = arith.constant 0 : index
    %get3A_413 = arith.constant 0 : index
    %get3A_414 = vector.load %arg7[%get3A_412, %get3A_413] : memref<128x8192xf32, #tpu.memory_space<vmem>>, vector<128x8192xf32>
    %dot_general3A_415 = arith.constant dense<0.000000e+00> : vector<1x8192xf32>
    %dot_general3A_416 = tpu.matmul %max3A_45, %get3A_414, %dot_general3A_415 {dimension_numbers = #tpu.dot_dimension_numbers<[1], [0], [0], [1], [0, 0, 1, 1], [], []>, transpose_lhs_hint = false} : vector<1x128xf32>, vector<128x8192xf32>, vector<1x8192xf32> -> vector<1x8192xf32>
    %get3A_417 = arith.constant 0 : index
    %get3A_418 = arith.constant 49152 : index
    %get3A_419 = vector.load %arg3[%get3A_417, %get3A_418] : memref<1x100000xf32, #tpu.memory_space<vmem>>, vector<1x8192xf32>
    %add3A_420 = arith.addf %dot_general3A_416, %get3A_419 : vector<1x8192xf32>
    %swap3A_421 = arith.constant 0 : index
    %swap3A_422 = arith.constant 49152 : index
    %swap3A_423 = vector.load %arg6[%swap3A_421, %swap3A_422] : memref<1x100000xf32, #tpu.memory_space<vmem>>, vector<1x8192xf32>
    tpu.vector_store %arg6[%swap3A_421, %swap3A_422], %add3A_420 {strides = array<i32>} : memref<1x100000xf32, #tpu.memory_space<vmem>>, vector<1x8192xf32>,
    %reduce_max3A_424 = vector.shape_cast %add3A_420 : vector<1x8192xf32> to vector<1x1x8192xf32>
    %reduce_max3A_425 = arith.constant dense<0xFF800000> : vector<1xf32>
    %reduce_max3A_426 = vector.multi_reduction <maximumf>, %reduce_max3A_424, %reduce_max3A_425 [1, 2] : vector<1x1x8192xf32> to vector<1xf32>
    %reduce_max3A_427 = vector.shape_cast %reduce_max3A_426 : vector<1xf32> to vector<1x1x1xf32>
    %reduce_max3A_428 = vector.extract %reduce_max3A_427[0, 0, 0] : f32 from vector<1x1x1xf32>
    %max3A_429 = arith.maximumf %max3A_375, %reduce_max3A_428 : f32
    %sub3A_430 = arith.subf %max3A_375, %max3A_429 : f32
    %exp3A_431 = math.exp %sub3A_430 : f32
    %mul3A_432 = arith.mulf %add3A_387, %exp3A_431 : f32
    %sub3A_433 = vector.broadcast %max3A_429 : f32 to vector<1x8192xf32>
    %sub3A_434 = arith.subf %add3A_420, %sub3A_433 : vector<1x8192xf32>
    %exp3A_435 = math.exp %sub3A_434 : vector<1x8192xf32>
    %reduce_sum3A_436 = vector.shape_cast %exp3A_435 : vector<1x8192xf32> to vector<1x1x8192xf32>
    %reduce_sum3A_437 = arith.constant dense<0.000000e+00> : vector<1xf32>
    %reduce_sum3A_438 = vector.multi_reduction <add>, %reduce_sum3A_436, %reduce_sum3A_437 [1, 2] : vector<1x1x8192xf32> to vector<1xf32>
    %reduce_sum3A_439 = vector.shape_cast %reduce_sum3A_438 : vector<1xf32> to vector<1x1x1xf32>
    %reduce_sum3A_440 = vector.extract %reduce_sum3A_439[0, 0, 0] : f32 from vector<1x1x1xf32>
    %add3A_441 = arith.addf %mul3A_432, %reduce_sum3A_440 : f32
    %dma_wait3A_442 = arith.constant 0 : i32
    %dma_wait3A_443 = arith.constant 0 : i32
    %dma_wait3A_444 = tpu.memref_slice %arg8[%dma_wait3A_442, %dma_wait3A_443] : memref<128x8192xf32, #tpu.memory_space<vmem>> -> memref<64x8192xf32, #tpu.memory_space<vmem>>
    %dma_wait3A_445 = arith.constant 0 : i32
    %dma_wait3A_446 = arith.constant 57344 : i32
    %dma_wait3A_447 = tpu.memref_slice %arg5[%dma_wait3A_445, %dma_wait3A_446] : memref<128x100000xf32, #tpu.memory_space<hbm>> -> memref<64x8192xf32, #tpu.memory_space<hbm>>
    tpu.wait_dma2 semaphore(%arg12 : memref<!tpu.dma_semaphore, #tpu.memory_space<semaphore_mem>>) src(%dma_wait3A_447 : memref<64x8192xf32, #tpu.memory_space<hbm>>) dst(%dma_wait3A_444 : memref<64x8192xf32, #tpu.memory_space<vmem>>)
    %dma_wait3A_448 = arith.constant 64 : i32
    %dma_wait3A_449 = arith.constant 0 : i32
    %dma_wait3A_450 = tpu.memref_slice %arg8[%dma_wait3A_448, %dma_wait3A_449] : memref<128x8192xf32, #tpu.memory_space<vmem>> -> memref<64x8192xf32, #tpu.memory_space<vmem>>
    %dma_wait3A_451 = arith.constant 64 : i32
    %dma_wait3A_452 = arith.constant 57344 : i32
    %dma_wait3A_453 = tpu.memref_slice %arg5[%dma_wait3A_451, %dma_wait3A_452] : memref<128x100000xf32, #tpu.memory_space<hbm>> -> memref<64x8192xf32, #tpu.memory_space<hbm>>
    tpu.wait_dma2 semaphore(%arg13 : memref<!tpu.dma_semaphore, #tpu.memory_space<semaphore_mem>>) src(%dma_wait3A_453 : memref<64x8192xf32, #tpu.memory_space<hbm>>) dst(%dma_wait3A_450 : memref<64x8192xf32, #tpu.memory_space<vmem>>)
    %dma_start3A_454 = arith.constant 0 : i32
    %dma_start3A_455 = arith.constant 0 : i32
    %dma_start3A_456 = tpu.memref_slice %arg8[%dma_start3A_454, %dma_start3A_455] : memref<128x8192xf32, #tpu.memory_space<vmem>> -> memref<64x8192xf32, #tpu.memory_space<vmem>>
    %dma_start3A_457 = arith.constant 0 : i32
    %dma_start3A_458 = arith.constant 81920 : i32
    %dma_start3A_459 = tpu.memref_slice %arg5[%dma_start3A_457, %dma_start3A_458] : memref<128x100000xf32, #tpu.memory_space<hbm>> -> memref<64x8192xf32, #tpu.memory_space<hbm>>
    tpu.enqueue_dma source(%dma_start3A_459 : memref<64x8192xf32, #tpu.memory_space<hbm>>) target(%dma_start3A_456 : memref<64x8192xf32, #tpu.memory_space<vmem>>) target_semaphore(%arg12 : memref<!tpu.dma_semaphore, #tpu.memory_space<semaphore_mem>>)
    %dma_start3A_460 = arith.constant 64 : i32
    %dma_start3A_461 = arith.constant 0 : i32
    %dma_start3A_462 = tpu.memref_slice %arg8[%dma_start3A_460, %dma_start3A_461] : memref<128x8192xf32, #tpu.memory_space<vmem>> -> memref<64x8192xf32, #tpu.memory_space<vmem>>
    %dma_start3A_463 = arith.constant 64 : i32
    %dma_start3A_464 = arith.constant 81920 : i32
    %dma_start3A_465 = tpu.memref_slice %arg5[%dma_start3A_463, %dma_start3A_464] : memref<128x100000xf32, #tpu.memory_space<hbm>> -> memref<64x8192xf32, #tpu.memory_space<hbm>>
    tpu.enqueue_dma source(%dma_start3A_465 : memref<64x8192xf32, #tpu.memory_space<hbm>>) target(%dma_start3A_462 : memref<64x8192xf32, #tpu.memory_space<vmem>>) target_semaphore(%arg13 : memref<!tpu.dma_semaphore, #tpu.memory_space<semaphore_mem>>)
    %get3A_466 = arith.constant 0 : index
    %get3A_467 = arith.constant 0 : index
    %get3A_468 = vector.load %arg8[%get3A_466, %get3A_467] : memref<128x8192xf32, #tpu.memory_space<vmem>>, vector<128x8192xf32>
    %dot_general3A_469 = arith.constant dense<0.000000e+00> : vector<1x8192xf32>
    %dot_general3A_470 = tpu.matmul %max3A_45, %get3A_468, %dot_general3A_469 {dimension_numbers = #tpu.dot_dimension_numbers<[1], [0], [0], [1], [0, 0, 1, 1], [], []>, transpose_lhs_hint = false} : vector<1x128xf32>, vector<128x8192xf32>, vector<1x8192xf32> -> vector<1x8192xf32>
    %get3A_471 = arith.constant 0 : index
    %get3A_472 = arith.constant 57344 : index
    %get3A_473 = vector.load %arg3[%get3A_471, %get3A_472] : memref<1x100000xf32, #tpu.memory_space<vmem>>, vector<1x8192xf32>
    %add3A_474 = arith.addf %dot_general3A_470, %get3A_473 : vector<1x8192xf32>
    %swap3A_475 = arith.constant 0 : index
    %swap3A_476 = arith.constant 57344 : index
    %swap3A_477 = vector.load %arg6[%swap3A_475, %swap3A_476] : memref<1x100000xf32, #tpu.memory_space<vmem>>, vector<1x8192xf32>
    tpu.vector_store %arg6[%swap3A_475, %swap3A_476], %add3A_474 {strides = array<i32>} : memref<1x100000xf32, #tpu.memory_space<vmem>>, vector<1x8192xf32>,
    %reduce_max3A_478 = vector.shape_cast %add3A_474 : vector<1x8192xf32> to vector<1x1x8192xf32>
    %reduce_max3A_479 = arith.constant dense<0xFF800000> : vector<1xf32>
    %reduce_max3A_480 = vector.multi_reduction <maximumf>, %reduce_max3A_478, %reduce_max3A_479 [1, 2] : vector<1x1x8192xf32> to vector<1xf32>
    %reduce_max3A_481 = vector.shape_cast %reduce_max3A_480 : vector<1xf32> to vector<1x1x1xf32>
    %reduce_max3A_482 = vector.extract %reduce_max3A_481[0, 0, 0] : f32 from vector<1x1x1xf32>
    %max3A_483 = arith.maximumf %max3A_429, %reduce_max3A_482 : f32
    %sub3A_484 = arith.subf %max3A_429, %max3A_483 : f32
    %exp3A_485 = math.exp %sub3A_484 : f32
    %mul3A_486 = arith.mulf %add3A_441, %exp3A_485 : f32
    %sub3A_487 = vector.broadcast %max3A_483 : f32 to vector<1x8192xf32>
    %sub3A_488 = arith.subf %add3A_474, %sub3A_487 : vector<1x8192xf32>
    %exp3A_489 = math.exp %sub3A_488 : vector<1x8192xf32>
    %reduce_sum3A_490 = vector.shape_cast %exp3A_489 : vector<1x8192xf32> to vector<1x1x8192xf32>
    %reduce_sum3A_491 = arith.constant dense<0.000000e+00> : vector<1xf32>
    %reduce_sum3A_492 = vector.multi_reduction <add>, %reduce_sum3A_490, %reduce_sum3A_491 [1, 2] : vector<1x1x8192xf32> to vector<1xf32>
    %reduce_sum3A_493 = vector.shape_cast %reduce_sum3A_492 : vector<1xf32> to vector<1x1x1xf32>
    %reduce_sum3A_494 = vector.extract %reduce_sum3A_493[0, 0, 0] : f32 from vector<1x1x1xf32>
    %add3A_495 = arith.addf %mul3A_486, %reduce_sum3A_494 : f32
    %dma_wait3A_496 = arith.constant 0 : i32
    %dma_wait3A_497 = arith.constant 0 : i32
    %dma_wait3A_498 = tpu.memref_slice %arg9[%dma_wait3A_496, %dma_wait3A_497] : memref<128x8192xf32, #tpu.memory_space<vmem>> -> memref<64x8192xf32, #tpu.memory_space<vmem>>
    %dma_wait3A_499 = arith.constant 0 : i32
    %dma_wait3A_500 = arith.constant 65536 : i32
    %dma_wait3A_501 = tpu.memref_slice %arg5[%dma_wait3A_499, %dma_wait3A_500] : memref<128x100000xf32, #tpu.memory_space<hbm>> -> memref<64x8192xf32, #tpu.memory_space<hbm>>
    tpu.wait_dma2 semaphore(%arg14 : memref<!tpu.dma_semaphore, #tpu.memory_space<semaphore_mem>>) src(%dma_wait3A_501 : memref<64x8192xf32, #tpu.memory_space<hbm>>) dst(%dma_wait3A_498 : memref<64x8192xf32, #tpu.memory_space<vmem>>)
    %dma_wait3A_502 = arith.constant 64 : i32
    %dma_wait3A_503 = arith.constant 0 : i32
    %dma_wait3A_504 = tpu.memref_slice %arg9[%dma_wait3A_502, %dma_wait3A_503] : memref<128x8192xf32, #tpu.memory_space<vmem>> -> memref<64x8192xf32, #tpu.memory_space<vmem>>
    %dma_wait3A_505 = arith.constant 64 : i32
    %dma_wait3A_506 = arith.constant 65536 : i32
    %dma_wait3A_507 = tpu.memref_slice %arg5[%dma_wait3A_505, %dma_wait3A_506] : memref<128x100000xf32, #tpu.memory_space<hbm>> -> memref<64x8192xf32, #tpu.memory_space<hbm>>
    tpu.wait_dma2 semaphore(%arg15 : memref<!tpu.dma_semaphore, #tpu.memory_space<semaphore_mem>>) src(%dma_wait3A_507 : memref<64x8192xf32, #tpu.memory_space<hbm>>) dst(%dma_wait3A_504 : memref<64x8192xf32, #tpu.memory_space<vmem>>)
    %dma_start3A_508 = arith.constant 0 : i32
    %dma_start3A_509 = arith.constant 0 : i32
    %dma_start3A_510 = tpu.memref_slice %arg9[%dma_start3A_508, %dma_start3A_509] : memref<128x8192xf32, #tpu.memory_space<vmem>> -> memref<64x8192xf32, #tpu.memory_space<vmem>>
    %dma_start3A_511 = arith.constant 0 : i32
    %dma_start3A_512 = arith.constant 90112 : i32
    %dma_start3A_513 = tpu.memref_slice %arg5[%dma_start3A_511, %dma_start3A_512] : memref<128x100000xf32, #tpu.memory_space<hbm>> -> memref<64x8192xf32, #tpu.memory_space<hbm>>
    tpu.enqueue_dma source(%dma_start3A_513 : memref<64x8192xf32, #tpu.memory_space<hbm>>) target(%dma_start3A_510 : memref<64x8192xf32, #tpu.memory_space<vmem>>) target_semaphore(%arg14 : memref<!tpu.dma_semaphore, #tpu.memory_space<semaphore_mem>>)
    %dma_start3A_514 = arith.constant 64 : i32
    %dma_start3A_515 = arith.constant 0 : i32
    %dma_start3A_516 = tpu.memref_slice %arg9[%dma_start3A_514, %dma_start3A_515] : memref<128x8192xf32, #tpu.memory_space<vmem>> -> memref<64x8192xf32, #tpu.memory_space<vmem>>
    %dma_start3A_517 = arith.constant 64 : i32
    %dma_start3A_518 = arith.constant 90112 : i32
    %dma_start3A_519 = tpu.memref_slice %arg5[%dma_start3A_517, %dma_start3A_518] : memref<128x100000xf32, #tpu.memory_space<hbm>> -> memref<64x8192xf32, #tpu.memory_space<hbm>>
    tpu.enqueue_dma source(%dma_start3A_519 : memref<64x8192xf32, #tpu.memory_space<hbm>>) target(%dma_start3A_516 : memref<64x8192xf32, #tpu.memory_space<vmem>>) target_semaphore(%arg15 : memref<!tpu.dma_semaphore, #tpu.memory_space<semaphore_mem>>)
    %get3A_520 = arith.constant 0 : index
    %get3A_521 = arith.constant 0 : index
    %get3A_522 = vector.load %arg9[%get3A_520, %get3A_521] : memref<128x8192xf32, #tpu.memory_space<vmem>>, vector<128x8192xf32>
    %dot_general3A_523 = arith.constant dense<0.000000e+00> : vector<1x8192xf32>
    %dot_general3A_524 = tpu.matmul %max3A_45, %get3A_522, %dot_general3A_523 {dimension_numbers = #tpu.dot_dimension_numbers<[1], [0], [0], [1], [0, 0, 1, 1], [], []>, transpose_lhs_hint = false} : vector<1x128xf32>, vector<128x8192xf32>, vector<1x8192xf32> -> vector<1x8192xf32>
    %get3A_525 = arith.constant 0 : index
    %get3A_526 = arith.constant 65536 : index
    %get3A_527 = vector.load %arg3[%get3A_525, %get3A_526] : memref<1x100000xf32, #tpu.memory_space<vmem>>, vector<1x8192xf32>
    %add3A_528 = arith.addf %dot_general3A_524, %get3A_527 : vector<1x8192xf32>
    %swap3A_529 = arith.constant 0 : index
    %swap3A_530 = arith.constant 65536 : index
    %swap3A_531 = vector.load %arg6[%swap3A_529, %swap3A_530] : memref<1x100000xf32, #tpu.memory_space<vmem>>, vector<1x8192xf32>
    tpu.vector_store %arg6[%swap3A_529, %swap3A_530], %add3A_528 {strides = array<i32>} : memref<1x100000xf32, #tpu.memory_space<vmem>>, vector<1x8192xf32>,
    %reduce_max3A_532 = vector.shape_cast %add3A_528 : vector<1x8192xf32> to vector<1x1x8192xf32>
    %reduce_max3A_533 = arith.constant dense<0xFF800000> : vector<1xf32>
    %reduce_max3A_534 = vector.multi_reduction <maximumf>, %reduce_max3A_532, %reduce_max3A_533 [1, 2] : vector<1x1x8192xf32> to vector<1xf32>
    %reduce_max3A_535 = vector.shape_cast %reduce_max3A_534 : vector<1xf32> to vector<1x1x1xf32>
    %reduce_max3A_536 = vector.extract %reduce_max3A_535[0, 0, 0] : f32 from vector<1x1x1xf32>
    %max3A_537 = arith.maximumf %max3A_483, %reduce_max3A_536 : f32
    %sub3A_538 = arith.subf %max3A_483, %max3A_537 : f32
    %exp3A_539 = math.exp %sub3A_538 : f32
    %mul3A_540 = arith.mulf %add3A_495, %exp3A_539 : f32
    %sub3A_541 = vector.broadcast %max3A_537 : f32 to vector<1x8192xf32>
    %sub3A_542 = arith.subf %add3A_528, %sub3A_541 : vector<1x8192xf32>
    %exp3A_543 = math.exp %sub3A_542 : vector<1x8192xf32>
    %reduce_sum3A_544 = vector.shape_cast %exp3A_543 : vector<1x8192xf32> to vector<1x1x8192xf32>
    %reduce_sum3A_545 = arith.constant dense<0.000000e+00> : vector<1xf32>
    %reduce_sum3A_546 = vector.multi_reduction <add>, %reduce_sum3A_544, %reduce_sum3A_545 [1, 2] : vector<1x1x8192xf32> to vector<1xf32>
    %reduce_sum3A_547 = vector.shape_cast %reduce_sum3A_546 : vector<1xf32> to vector<1x1x1xf32>
    %reduce_sum3A_548 = vector.extract %reduce_sum3A_547[0, 0, 0] : f32 from vector<1x1x1xf32>
    %add3A_549 = arith.addf %mul3A_540, %reduce_sum3A_548 : f32
    %dma_wait3A_550 = arith.constant 0 : i32
    %dma_wait3A_551 = arith.constant 0 : i32
    %dma_wait3A_552 = tpu.memref_slice %arg7[%dma_wait3A_550, %dma_wait3A_551] : memref<128x8192xf32, #tpu.memory_space<vmem>> -> memref<64x8192xf32, #tpu.memory_space<vmem>>
    %dma_wait3A_553 = arith.constant 0 : i32
    %dma_wait3A_554 = arith.constant 73728 : i32
    %dma_wait3A_555 = tpu.memref_slice %arg5[%dma_wait3A_553, %dma_wait3A_554] : memref<128x100000xf32, #tpu.memory_space<hbm>> -> memref<64x8192xf32, #tpu.memory_space<hbm>>
    tpu.wait_dma2 semaphore(%arg10 : memref<!tpu.dma_semaphore, #tpu.memory_space<semaphore_mem>>) src(%dma_wait3A_555 : memref<64x8192xf32, #tpu.memory_space<hbm>>) dst(%dma_wait3A_552 : memref<64x8192xf32, #tpu.memory_space<vmem>>)
    %dma_wait3A_556 = arith.constant 64 : i32
    %dma_wait3A_557 = arith.constant 0 : i32
    %dma_wait3A_558 = tpu.memref_slice %arg7[%dma_wait3A_556, %dma_wait3A_557] : memref<128x8192xf32, #tpu.memory_space<vmem>> -> memref<64x8192xf32, #tpu.memory_space<vmem>>
    %dma_wait3A_559 = arith.constant 64 : i32
    %dma_wait3A_560 = arith.constant 73728 : i32
    %dma_wait3A_561 = tpu.memref_slice %arg5[%dma_wait3A_559, %dma_wait3A_560] : memref<128x100000xf32, #tpu.memory_space<hbm>> -> memref<64x8192xf32, #tpu.memory_space<hbm>>
    tpu.wait_dma2 semaphore(%arg11 : memref<!tpu.dma_semaphore, #tpu.memory_space<semaphore_mem>>) src(%dma_wait3A_561 : memref<64x8192xf32, #tpu.memory_space<hbm>>) dst(%dma_wait3A_558 : memref<64x8192xf32, #tpu.memory_space<vmem>>)
    %get3A_562 = arith.constant 0 : index
    %get3A_563 = arith.constant 0 : index
    %get3A_564 = vector.load %arg7[%get3A_562, %get3A_563] : memref<128x8192xf32, #tpu.memory_space<vmem>>, vector<128x8192xf32>
    %dot_general3A_565 = arith.constant dense<0.000000e+00> : vector<1x8192xf32>
    %dot_general3A_566 = tpu.matmul %max3A_45, %get3A_564, %dot_general3A_565 {dimension_numbers = #tpu.dot_dimension_numbers<[1], [0], [0], [1], [0, 0, 1, 1], [], []>, transpose_lhs_hint = false} : vector<1x128xf32>, vector<128x8192xf32>, vector<1x8192xf32> -> vector<1x8192xf32>
    %get3A_567 = arith.constant 0 : index
    %get3A_568 = arith.constant 73728 : index
    %get3A_569 = vector.load %arg3[%get3A_567, %get3A_568] : memref<1x100000xf32, #tpu.memory_space<vmem>>, vector<1x8192xf32>
    %add3A_570 = arith.addf %dot_general3A_566, %get3A_569 : vector<1x8192xf32>
    %swap3A_571 = arith.constant 0 : index
    %swap3A_572 = arith.constant 73728 : index
    %swap3A_573 = vector.load %arg6[%swap3A_571, %swap3A_572] : memref<1x100000xf32, #tpu.memory_space<vmem>>, vector<1x8192xf32>
    tpu.vector_store %arg6[%swap3A_571, %swap3A_572], %add3A_570 {strides = array<i32>} : memref<1x100000xf32, #tpu.memory_space<vmem>>, vector<1x8192xf32>,
    %reduce_max3A_574 = vector.shape_cast %add3A_570 : vector<1x8192xf32> to vector<1x1x8192xf32>
    %reduce_max3A_575 = arith.constant dense<0xFF800000> : vector<1xf32>
    %reduce_max3A_576 = vector.multi_reduction <maximumf>, %reduce_max3A_574, %reduce_max3A_575 [1, 2] : vector<1x1x8192xf32> to vector<1xf32>
    %reduce_max3A_577 = vector.shape_cast %reduce_max3A_576 : vector<1xf32> to vector<1x1x1xf32>
    %reduce_max3A_578 = vector.extract %reduce_max3A_577[0, 0, 0] : f32 from vector<1x1x1xf32>
    %max3A_579 = arith.maximumf %max3A_537, %reduce_max3A_578 : f32
    %sub3A_580 = arith.subf %max3A_537, %max3A_579 : f32
    %exp3A_581 = math.exp %sub3A_580 : f32
    %mul3A_582 = arith.mulf %add3A_549, %exp3A_581 : f32
    %sub3A_583 = vector.broadcast %max3A_579 : f32 to vector<1x8192xf32>
    %sub3A_584 = arith.subf %add3A_570, %sub3A_583 : vector<1x8192xf32>
    %exp3A_585 = math.exp %sub3A_584 : vector<1x8192xf32>
    %reduce_sum3A_586 = vector.shape_cast %exp3A_585 : vector<1x8192xf32> to vector<1x1x8192xf32>
    %reduce_sum3A_587 = arith.constant dense<0.000000e+00> : vector<1xf32>
    %reduce_sum3A_588 = vector.multi_reduction <add>, %reduce_sum3A_586, %reduce_sum3A_587 [1, 2] : vector<1x1x8192xf32> to vector<1xf32>
    %reduce_sum3A_589 = vector.shape_cast %reduce_sum3A_588 : vector<1xf32> to vector<1x1x1xf32>
    %reduce_sum3A_590 = vector.extract %reduce_sum3A_589[0, 0, 0] : f32 from vector<1x1x1xf32>
    %add3A_591 = arith.addf %mul3A_582, %reduce_sum3A_590 : f32
    %dma_wait3A_592 = arith.constant 0 : i32
    %dma_wait3A_593 = arith.constant 0 : i32
    %dma_wait3A_594 = tpu.memref_slice %arg8[%dma_wait3A_592, %dma_wait3A_593] : memref<128x8192xf32, #tpu.memory_space<vmem>> -> memref<64x8192xf32, #tpu.memory_space<vmem>>
    %dma_wait3A_595 = arith.constant 0 : i32
    %dma_wait3A_596 = arith.constant 81920 : i32
    %dma_wait3A_597 = tpu.memref_slice %arg5[%dma_wait3A_595, %dma_wait3A_596] : memref<128x100000xf32, #tpu.memory_space<hbm>> -> memref<64x8192xf32, #tpu.memory_space<hbm>>
    tpu.wait_dma2 semaphore(%arg12 : memref<!tpu.dma_semaphore, #tpu.memory_space<semaphore_mem>>) src(%dma_wait3A_597 : memref<64x8192xf32, #tpu.memory_space<hbm>>) dst(%dma_wait3A_594 : memref<64x8192xf32, #tpu.memory_space<vmem>>)
    %dma_wait3A_598 = arith.constant 64 : i32
    %dma_wait3A_599 = arith.constant 0 : i32
    %dma_wait3A_600 = tpu.memref_slice %arg8[%dma_wait3A_598, %dma_wait3A_599] : memref<128x8192xf32, #tpu.memory_space<vmem>> -> memref<64x8192xf32, #tpu.memory_space<vmem>>
    %dma_wait3A_601 = arith.constant 64 : i32
    %dma_wait3A_602 = arith.constant 81920 : i32
    %dma_wait3A_603 = tpu.memref_slice %arg5[%dma_wait3A_601, %dma_wait3A_602] : memref<128x100000xf32, #tpu.memory_space<hbm>> -> memref<64x8192xf32, #tpu.memory_space<hbm>>
    tpu.wait_dma2 semaphore(%arg13 : memref<!tpu.dma_semaphore, #tpu.memory_space<semaphore_mem>>) src(%dma_wait3A_603 : memref<64x8192xf32, #tpu.memory_space<hbm>>) dst(%dma_wait3A_600 : memref<64x8192xf32, #tpu.memory_space<vmem>>)
    %get3A_604 = arith.constant 0 : index
    %get3A_605 = arith.constant 0 : index
    %get3A_606 = vector.load %arg8[%get3A_604, %get3A_605] : memref<128x8192xf32, #tpu.memory_space<vmem>>, vector<128x8192xf32>
    %dot_general3A_607 = arith.constant dense<0.000000e+00> : vector<1x8192xf32>
    %dot_general3A_608 = tpu.matmul %max3A_45, %get3A_606, %dot_general3A_607 {dimension_numbers = #tpu.dot_dimension_numbers<[1], [0], [0], [1], [0, 0, 1, 1], [], []>, transpose_lhs_hint = false} : vector<1x128xf32>, vector<128x8192xf32>, vector<1x8192xf32> -> vector<1x8192xf32>
    %get3A_609 = arith.constant 0 : index
    %get3A_610 = arith.constant 81920 : index
    %get3A_611 = vector.load %arg3[%get3A_609, %get3A_610] : memref<1x100000xf32, #tpu.memory_space<vmem>>, vector<1x8192xf32>
    %add3A_612 = arith.addf %dot_general3A_608, %get3A_611 : vector<1x8192xf32>
    %swap3A_613 = arith.constant 0 : index
    %swap3A_614 = arith.constant 81920 : index
    %swap3A_615 = vector.load %arg6[%swap3A_613, %swap3A_614] : memref<1x100000xf32, #tpu.memory_space<vmem>>, vector<1x8192xf32>
    tpu.vector_store %arg6[%swap3A_613, %swap3A_614], %add3A_612 {strides = array<i32>} : memref<1x100000xf32, #tpu.memory_space<vmem>>, vector<1x8192xf32>,
    %reduce_max3A_616 = vector.shape_cast %add3A_612 : vector<1x8192xf32> to vector<1x1x8192xf32>
    %reduce_max3A_617 = arith.constant dense<0xFF800000> : vector<1xf32>
    %reduce_max3A_618 = vector.multi_reduction <maximumf>, %reduce_max3A_616, %reduce_max3A_617 [1, 2] : vector<1x1x8192xf32> to vector<1xf32>
    %reduce_max3A_619 = vector.shape_cast %reduce_max3A_618 : vector<1xf32> to vector<1x1x1xf32>
    %reduce_max3A_620 = vector.extract %reduce_max3A_619[0, 0, 0] : f32 from vector<1x1x1xf32>
    %max3A_621 = arith.maximumf %max3A_579, %reduce_max3A_620 : f32
    %sub3A_622 = arith.subf %max3A_579, %max3A_621 : f32
    %exp3A_623 = math.exp %sub3A_622 : f32
    %mul3A_624 = arith.mulf %add3A_591, %exp3A_623 : f32
    %sub3A_625 = vector.broadcast %max3A_621 : f32 to vector<1x8192xf32>
    %sub3A_626 = arith.subf %add3A_612, %sub3A_625 : vector<1x8192xf32>
    %exp3A_627 = math.exp %sub3A_626 : vector<1x8192xf32>
    %reduce_sum3A_628 = vector.shape_cast %exp3A_627 : vector<1x8192xf32> to vector<1x1x8192xf32>
    %reduce_sum3A_629 = arith.constant dense<0.000000e+00> : vector<1xf32>
    %reduce_sum3A_630 = vector.multi_reduction <add>, %reduce_sum3A_628, %reduce_sum3A_629 [1, 2] : vector<1x1x8192xf32> to vector<1xf32>
    %reduce_sum3A_631 = vector.shape_cast %reduce_sum3A_630 : vector<1xf32> to vector<1x1x1xf32>
    %reduce_sum3A_632 = vector.extract %reduce_sum3A_631[0, 0, 0] : f32 from vector<1x1x1xf32>
    %add3A_633 = arith.addf %mul3A_624, %reduce_sum3A_632 : f32
    %dma_wait3A_634 = arith.constant 0 : i32
    %dma_wait3A_635 = arith.constant 0 : i32
    %dma_wait3A_636 = tpu.memref_slice %arg9[%dma_wait3A_634, %dma_wait3A_635] : memref<128x8192xf32, #tpu.memory_space<vmem>> -> memref<64x8192xf32, #tpu.memory_space<vmem>>
    %dma_wait3A_637 = arith.constant 0 : i32
    %dma_wait3A_638 = arith.constant 90112 : i32
    %dma_wait3A_639 = tpu.memref_slice %arg5[%dma_wait3A_637, %dma_wait3A_638] : memref<128x100000xf32, #tpu.memory_space<hbm>> -> memref<64x8192xf32, #tpu.memory_space<hbm>>
    tpu.wait_dma2 semaphore(%arg14 : memref<!tpu.dma_semaphore, #tpu.memory_space<semaphore_mem>>) src(%dma_wait3A_639 : memref<64x8192xf32, #tpu.memory_space<hbm>>) dst(%dma_wait3A_636 : memref<64x8192xf32, #tpu.memory_space<vmem>>)
    %dma_wait3A_640 = arith.constant 64 : i32
    %dma_wait3A_641 = arith.constant 0 : i32
    %dma_wait3A_642 = tpu.memref_slice %arg9[%dma_wait3A_640, %dma_wait3A_641] : memref<128x8192xf32, #tpu.memory_space<vmem>> -> memref<64x8192xf32, #tpu.memory_space<vmem>>
    %dma_wait3A_643 = arith.constant 64 : i32
    %dma_wait3A_644 = arith.constant 90112 : i32
    %dma_wait3A_645 = tpu.memref_slice %arg5[%dma_wait3A_643, %dma_wait3A_644] : memref<128x100000xf32, #tpu.memory_space<hbm>> -> memref<64x8192xf32, #tpu.memory_space<hbm>>
    tpu.wait_dma2 semaphore(%arg15 : memref<!tpu.dma_semaphore, #tpu.memory_space<semaphore_mem>>) src(%dma_wait3A_645 : memref<64x8192xf32, #tpu.memory_space<hbm>>) dst(%dma_wait3A_642 : memref<64x8192xf32, #tpu.memory_space<vmem>>)
    %get3A_646 = arith.constant 0 : index
    %get3A_647 = arith.constant 0 : index
    %get3A_648 = vector.load %arg9[%get3A_646, %get3A_647] : memref<128x8192xf32, #tpu.memory_space<vmem>>, vector<128x8192xf32>
    %dot_general3A_649 = arith.constant dense<0.000000e+00> : vector<1x8192xf32>
    %dot_general3A_650 = tpu.matmul %max3A_45, %get3A_648, %dot_general3A_649 {dimension_numbers = #tpu.dot_dimension_numbers<[1], [0], [0], [1], [0, 0, 1, 1], [], []>, transpose_lhs_hint = false} : vector<1x128xf32>, vector<128x8192xf32>, vector<1x8192xf32> -> vector<1x8192xf32>
    %get3A_651 = arith.constant 0 : index
    %get3A_652 = arith.constant 90112 : index
    %get3A_653 = vector.load %arg3[%get3A_651, %get3A_652] : memref<1x100000xf32, #tpu.memory_space<vmem>>, vector<1x8192xf32>
    %add3A_654 = arith.addf %dot_general3A_650, %get3A_653 : vector<1x8192xf32>
    %swap3A_655 = arith.constant 0 : index
    %swap3A_656 = arith.constant 90112 : index
    %swap3A_657 = vector.load %arg6[%swap3A_655, %swap3A_656] : memref<1x100000xf32, #tpu.memory_space<vmem>>, vector<1x8192xf32>
    tpu.vector_store %arg6[%swap3A_655, %swap3A_656], %add3A_654 {strides = array<i32>} : memref<1x100000xf32, #tpu.memory_space<vmem>>, vector<1x8192xf32>,
    %reduce_max3A_658 = vector.shape_cast %add3A_654 : vector<1x8192xf32> to vector<1x1x8192xf32>
    %reduce_max3A_659 = arith.constant dense<0xFF800000> : vector<1xf32>
    %reduce_max3A_660 = vector.multi_reduction <maximumf>, %reduce_max3A_658, %reduce_max3A_659 [1, 2] : vector<1x1x8192xf32> to vector<1xf32>
    %reduce_max3A_661 = vector.shape_cast %reduce_max3A_660 : vector<1xf32> to vector<1x1x1xf32>
    %reduce_max3A_662 = vector.extract %reduce_max3A_661[0, 0, 0] : f32 from vector<1x1x1xf32>
    %max3A_663 = arith.maximumf %max3A_621, %reduce_max3A_662 : f32
    %sub3A_664 = arith.subf %max3A_621, %max3A_663 : f32
    %exp3A_665 = math.exp %sub3A_664 : f32
    %mul3A_666 = arith.mulf %add3A_633, %exp3A_665 : f32
    %sub3A_667 = vector.broadcast %max3A_663 : f32 to vector<1x8192xf32>
    %sub3A_668 = arith.subf %add3A_654, %sub3A_667 : vector<1x8192xf32>
    %exp3A_669 = math.exp %sub3A_668 : vector<1x8192xf32>
    %reduce_sum3A_670 = vector.shape_cast %exp3A_669 : vector<1x8192xf32> to vector<1x1x8192xf32>
    %reduce_sum3A_671 = arith.constant dense<0.000000e+00> : vector<1xf32>
    %reduce_sum3A_672 = vector.multi_reduction <add>, %reduce_sum3A_670, %reduce_sum3A_671 [1, 2] : vector<1x1x8192xf32> to vector<1xf32>
    %reduce_sum3A_673 = vector.shape_cast %reduce_sum3A_672 : vector<1xf32> to vector<1x1x1xf32>
    %reduce_sum3A_674 = vector.extract %reduce_sum3A_673[0, 0, 0] : f32 from vector<1x1x1xf32>
    %add3A_675 = arith.addf %mul3A_666, %reduce_sum3A_674 : f32
    %log3A = math.log %add3A_675 : f32
    %add3A_676 = arith.addf %max3A_663, %log3A : f32
    %get3A_677 = arith.constant 0 : index
    %get3A_678 = arith.constant 0 : index
    %get3A_679 = vector.load %arg6[%get3A_677, %get3A_678] : memref<1x100000xf32, #tpu.memory_space<vmem>>, vector<1x100000xf32>
    %sub3A_680 = vector.broadcast %add3A_676 : f32 to vector<1x100000xf32>
    %sub3A_681 = arith.subf %get3A_679, %sub3A_680 : vector<1x100000xf32>
    %swap3A_682 = arith.constant 0 : index
    %swap3A_683 = arith.constant 0 : index
    %swap3A_684 = vector.load %arg6[%swap3A_682, %swap3A_683] : memref<1x100000xf32, #tpu.memory_space<vmem>>, vector<1x100000xf32>
    tpu.vector_store %arg6[%swap3A_682, %swap3A_683], %sub3A_681 {strides = array<i32>} : memref<1x100000xf32, #tpu.memory_space<vmem>>, vector<1x100000xf32>,
    return
  }
}

</mosaic_0001>

<sc_bundles>
// kernel: kernel.4.cloned.1.call-start
scs
__scs_entry_jumppad:
0x0: {  	(pc) =	sbr.rel $0x88, $3  }
0x1: {  	(tag) =	ssettag $0x0;
	lr =	simm.s32 $0x1  }
0x2: {  	[smem:$0x3F9B] =	sst lr;
	_ =	strace $0xD0000000  }
0x3: {  	_ = 	snop  }
0x4: {  	_ = 	snop  }
0x5: {  	_ = 	snop  }
0x6: {  	_ = 	snop  }
0x7: {  	_ = 	snop  }
__scs_overlays_trampoline_lowered:
0x8: {  	[smem:$0x3FAA] =	sst s0  }
0x9: {  	[smem:$0x3FAB] =	sst s1  }
0xa: {  	[smem:$0x3FAC] =	sst s2  }
0xb: {  	[smem:$0x3FAD] =	sst s3  }
0xc: {  	[smem:$0x3FAE] =	sst s4  }
0xd: {  	[smem:$0x3FAF] =	sst s5  }
0xe: {  	[smem:$0x3FB0] =	sst s6  }
0xf: {  	[smem:$0x3FB1] =	sst s7  }
0x10: {  	[smem:$0x3FB2] =	sst s8  }
0x11: {  	[smem:$0x3FB3] =	sst s9;
	s0 =	simm.s32 @!p0 $0x0  }
0x12: {  	s1 =	sld [smem:$0x3F99];
	s0 =	simm.s32 @p0 $0x1  }
0x13: {  	[smem:$0x3FB4] =	sst s0;
	s0 =	simm.s32 @!p1 $0x0  }
0x14: {  	s2 =	sld [smem:$0x3F98];
	s0 =	simm.s32 @p1 $0x1  }
0x15: {  	[smem:$0x3FB5] =	sst s0;
	s0 =	simm.s32 @!p2 $0x0  }
0x16: {  	s3 =	sld [smem:$0x3FDB];
	s0 =	simm.s32 @p2 $0x1  }
0x17: {  	s4 =	simm.s32 $0x1BF5;
	[smem:$0x3FB7] =	sst s0  }
0x18: {  	s0 =	sld [smem:$0x3F9A];
	_ =	swait.ge [sflag:s4], $0x0  }
0x19: {  	s7 =	sld [smem:$0x3F9B]  }
0x1a: {  	s8 =	sadd.s32 $0xFFFFE003, lr  }
0x1b: {  	s9 =	sadd.s32 $0xFFFFFEF7, lr;
	s5 =	simm.s32 $0xFFFFFFFF;
	p2 =	slt.u32 s8, $0xFFFFF086  }
0x1c: {  	p1 =	slt.u32 s9, $0xF7A;
	s5 =	simm.s32 @!p2 $0x0  }
0x1d: {  	s5 =	simm.s32 @p1 $0x1;
	p0 =	seq.s32 s7, s2  }
0x1e: {  	s7 =	smul.u32 @!p0 $0xF7A, s2;
	p2 =	seq.s32 @!p0 s5, $0x0  }
0x1f: {  	s9 =	smul.u32 $0xF7A, s1;
	s8 =	simm.s32 @!p0 $0x1BF5;
	p2 =	por !p2, p0  }
0x20: {  	[sflag:s8] =	ssyncset.s32 @!p0 $0xFFFFF086;
	s6 =	sadd.s32 @!p0 s3, s7;
	s7 =	simm.s32 @!p0 $0x108  }
0x21: {  	s3 =	sadd.s32 s3, s9;
	s6 =	sadd.s32 @!p0 $0x88, s6;
	s7 =	simm.s32 @p2 $0x1082  }
0x22: {  	[simem:s7], [sflag:s8] =	dma.local @!p0 [hbm:s6], $0xF7A  }
0x23: {  	s9 =	sor.u32 $0xD0000000, s2;
	s6 =	simm.s32 $0x108;
	_ =	swait.ge @!p0 [sflag:s8], $0x0  }
0x24: {  	s3 =	sadd.s32 $0x88, s3;
	s6 =	simm.s32 @!p1 $0x1082;
	[sflag:s4] =	ssyncset.s32 $0xFFFFF086  }
0x25: {  	[simem:s6], [sflag:s4] =	dma.local [hbm:s3], $0xF7A  }
0x26: {  	[smem:$0x3F9B] =	sst s1;
	(tag) =	ssettag s2;
	_ =	strace s9  }
0x27: {  	s1 =	sld [smem:$0x3FAB]  }
0x28: {  	s2 =	sld [smem:$0x3FAC]  }
0x29: {  	s4 =	sld [smem:$0x3FAE]  }
0x2a: {  	p0 =	seq.s32 s5, $0x0;
	s5 =	sld [smem:$0x3FAF]  }
0x2b: {  	s6 =	sld [smem:$0x3FB0]  }
0x2c: {  	s7 =	sld [smem:$0x3FB1]  }
0x2d: {  	s3 =	simm.s32 $0x108;
	s8 =	sld [smem:$0x3FB2]  }
0x2e: {  	s3 =	simm.s32 @!p0 $0x1082;
	s9 =	sld [smem:$0x3FB3]  }
0x2f: {  	lr =	sadd.s32 s0, s3;
	s0 =	sld [smem:$0x3FAA]  }
0x30: {  	s3 =	sld [smem:$0x3FAD]  }
0x31: {  	[smem:$0x3FB6] =	sst s10  }
0x32: {  	s10 =	sld [smem:$0x3FB4];
	_ =	sdelay $0x3  }
0x33: {  	p0 =	seq.s32 s10, $0x1;
	s10 =	sld [smem:$0x3FB6];
	_ =	sdelay $0x3  }
0x34: {  	[smem:$0x3FB6] =	sst s10  }
0x35: {  	s10 =	sld [smem:$0x3FB5];
	_ =	sdelay $0x3  }
0x36: {  	p1 =	seq.s32 s10, $0x1;
	s10 =	sld [smem:$0x3FB6];
	_ =	sdelay $0x3  }
0x37: {  	[smem:$0x3FB6] =	sst s10  }
0x38: {  	s10 =	sld [smem:$0x3FB7]  }
0x39: {  	_ = 	snop;
	(pc) =	sbr.ind lr, $3  }
0x3a: {  	_ = 	snop  }
0x3b: {  	_ = 	snop  }
0x3c: {  	p2 =	seq.s32 s10, $0x1;
	s10 =	sld [smem:$0x3FB6]  }
0x3d: {  	_ =	shalt  }
0x3e: {  	_ =	shalt  }
0x3f: {  	_ =	shalt  }
0x40: {  	_ =	shalt  }
0x41: {  	_ =	shalt  }
0x42: {  	_ =	shalt  }
0x43: {  	_ =	shalt  }
0x44: {  	_ =	shalt  }
0x45: {  	_ =	shalt  }
0x46: {  	_ =	shalt  }
0x47: {  	_ =	shalt  }
0x48: {  	_ =	shalt  }
0x49: {  	_ =	shalt  }
0x4a: {  	_ =	shalt  }
0x4b: {  	_ =	shalt  }
0x4c: {  	_ =	shalt  }
0x4d: {  	_ =	shalt  }
0x4e: {  	_ =	shalt  }
0x4f: {  	_ =	shalt  }
0x50: {  	_ =	shalt  }
0x51: {  	_ =	shalt  }
0x52: {  	_ =	shalt  }
0x53: {  	_ =	shalt  }
0x54: {  	_ =	shalt  }
0x55: {  	_ =	shalt  }
0x56: {  	_ =	shalt  }
0x57: {  	_ =	shalt  }
0x58: {  	_ =	shalt  }
0x59: {  	_ =	shalt  }
0x5a: {  	_ =	shalt  }
0x5b: {  	_ =	shalt  }
0x5c: {  	_ =	shalt  }
0x5d: {  	_ =	shalt  }
0x5e: {  	_ =	shalt  }
0x5f: {  	_ =	shalt  }
0x60: {  	_ =	shalt  }
0x61: {  	_ =	shalt  }
0x62: {  	_ =	shalt  }
0x63: {  	_ =	shalt  }
0x64: {  	_ =	shalt  }
0x65: {  	_ =	shalt  }
0x66: {  	_ =	shalt  }
0x67: {  	_ =	shalt  }
0x68: {  	_ =	shalt  }
0x69: {  	_ =	shalt  }
0x6a: {  	_ =	shalt  }
0x6b: {  	_ =	shalt  }
0x6c: {  	_ =	shalt  }
0x6d: {  	_ =	shalt  }
0x6e: {  	_ =	shalt  }
0x6f: {  	_ =	shalt  }
0x70: {  	_ =	shalt  }
0x71: {  	_ =	shalt  }
0x72: {  	_ =	shalt  }
0x73: {  	_ =	shalt  }
0x74: {  	_ =	shalt  }
0x75: {  	_ =	shalt  }
0x76: {  	_ =	shalt  }
0x77: {  	_ =	shalt  }
0x78: {  	_ =	shalt  }
0x79: {  	_ =	shalt  }
0x7a: {  	_ =	shalt  }
0x7b: {  	_ =	shalt  }
0x7c: {  	_ =	shalt  }
0x7d: {  	_ =	shalt  }
0x7e: {  	_ =	shalt  }
0x7f: {  	_ =	shalt  }
0x80: {  	_ =	shalt  }
0x81: {  	_ =	shalt  }
0x82: {  	_ =	shalt  }
0x83: {  	_ =	shalt  }
0x84: {  	_ =	shalt  }
0x85: {  	_ =	shalt  }
0x86: {  	_ =	shalt  }
0x87: {  	_ =	shalt  }
.Lfunc_end0:
.L_simem_size_0:
called_computation_lowered:
.L_overlay_start_0:
0x88: {  	s2 =	sld [smem:$0x3FD9]  }
0x89: {  	s3 =	sld [smem:$0x3FFE];
	_ =	sdelay $0x1  }
0x8a: {  	s1 =	srdreg.scid  }
0x8b: {  	s0 =	sand.u32 $0x1, s1  }
0x8c: {  	s17 =	sshll.u32 s0, $0xA;
	s2 =	sadd.s32 s3, s2  }
0x8d: {  	s2 =	sadd.s32 s2, s17  }
0x8e: {  	[smem:$0x3FC2] =	sst s2  }
0x8f: {  	_ = 	snop  }
0x90: {  	s2 =	sld [smem:$0x3FD0];
	(tm) =	ssettm $0x1  }
0x91: {  	s18 =	sld [smem:$0x3FFB];
	_ =	sdelay $0x3  }
0x92: {  	_ =	strace s18  }
0x93: {  	s3 =	sld [smem:$0x3FFC];
	_ =	sdelay $0x3  }
0x94: {  	_ =	strace s3  }
0x95: {  	s3 =	sld [smem:$0x3FFD];
	_ =	sdelay $0x3  }
0x96: {  	_ =	strace s3  }
0x97: {  	_ =	strace $0x8FFFFFFF  }
0x98: {  	s19 =	sld [smem:$0x3FDB];
	_ =	sdelay $0x1  }
0x99: {  	s4 =	simm.s32 $_scs_section_size  }
0x9a: {  	s5 =	simm.s32 $_size__tile_overlayer_lowered;
	s6 =	simm.s32 $_tile_overlayer_lowered  }
0x9b: {  	s22 =	simm.s32 $0x1BFF;
	s21 =	sshll.u32 s6, $0x1;
	s3 =	sadd.s32 s4, s19  }
0x9c: {  	s7 =	simm.s32 $0x0;
	s20 =	sshll.u32 s5, $0x1;
	s5 =	sadd.s32 s21, s3  }
0x9d: {  	[timem:s7], [sflag:s22] =	dma.local [hbm:s5], s20  }
0x9e: {  	_ =	swait.ge [sflag:s22], s20  }
0x9f: {  	s4 =	ssub.s32 $0x0, s20;
	[sflag:s22] =	ssyncset.done $0x0  }
0xa0: {  	[sflag:s22] =	ssyncadd.s32 s4;
	_ =	sdelay $0x1  }
0xa1: {  	s23 =	simm.s32 $0x1B8B  }
0xa2: {  	_ =	swait.ge [sflag:s23], $0x1  }
0xa3: {  	[sflag:s23] =	ssyncset.done $0x0  }
0xa4: {  	s25 =	simm.s32 $0x1B8E;
	s24 =	sld [smem:$0x3FFE];
	[sflag:s23] =	ssyncadd.s32 $0xFFFFFFFF  }
0xa5: {  	s26 =	simm.s32 $execute0_lowered;
	[smem:$0x3FD2] =	sst s25  }
0xa6: {  	s5 =	sshll.u32 s26, $0x1;
	_ =	strace $0x80000046;
	[dreg:$0x1] =	wrdreg $0xFFFFFFFF  }
0xa7: {  	s28 =	simm.s32 $_size_execute0_lowered;
	s3 =	sadd.s32 s3, s5;
	[dreg:$0x0] =	wrdreg $0x0  }
0xa8: {  	s5 =	sshll.u32 s28, $0x1;
	[dreg:$0x2] =	wrdreg s3  }
0xa9: {  	[dreg:$0x3] =	wrdreg s5  }
0xaa: {  	[dreg:$0x4] =	wrdreg $0xC0  }
0xab: {  	_ =	task [dreg:s7], $0x5FFFF  }
0xac: {  	[dreg:$0x1] =	wrdreg $0xFFFFFFFF  }
0xad: {  	[dreg:$0x0] =	wrdreg $0x60  }
0xae: {  	[dreg:$0x2] =	wrdreg s24  }
0xaf: {  	[dreg:$0x3] =	wrdreg s2  }
0xb0: {  	[dreg:$0x4] =	wrdreg $0x9  }
0xb1: {  	_ =	task.clear_ibuf [dreg:s7], $0x5FFFF;
	_ =	strace $0x90000046  }
0xb2: {  	s29 =	simm.s32 $0x9;
	_ =	strace $0x80000048  }
0xb3: {  	_ =	swait.ge [sflag:s29], $0x1  }
0xb4: {  	[sflag:s29] =	ssyncadd.s32 $0xFFFFFFFF  }
0xb5: {  	_ =	strace $0x90000048  }
0xb6: {  	_ =	sfence  }
0xb7: {  	s30 =	sld [smem:$0x0];
	_ =	sdelay $0x2  }
0xb8: {  	s31 =	sshll.u32 s1, $0xD;
	s1 =	sshrl.u32 s1, $0x2  }
0xb9: {  	s3 =	sand.u32 $0x4000, s31;
	s1 =	sadd.s32 s1, s30  }
0xba: {  	s0 =	sor.u32 s3, s0;
	s1 =	sshll.u32 s1, $0x11  }
0xbb: {  	s0 =	sor.u32 s1, s0  }
0xbc: {  	s0 =	sadd.s32 $0x8F2B, s0  }
0xbd: {  	[sflag:s0] =	ssyncadd.remote.s32 $0x1  }
0xbe: {  	_ =	sfence.sel $0xFFFF  }
0xbf: {  	[dreg:$0x0] =	wrdreg $0xFFFFFFFF;
	(pc) =	sbr.abs _section_cstart, $3  }
0xc0: {  	[dreg:$0x1] =	wrdreg $0xFFFFFFFF  }
0xc1: {  	_ =	task.clear_ibuf [dreg:s7], $0x2FFFF;
	_ =	strace $0x9FFFFFFF  }
0xc2: {  	(tm) =	ssettm $0x7FFFFFFF  }
0xc3: {  	_ =	shalt  }
tec
execute0_lowered:
.L_overlay_start_1:
0x0: {  	(tag) =	ssettag $0x1  }
0x1: {  	s3 =	rddreg [dreg:$0x0]  }
0x2: {  	s4 =	rddreg [dreg:$0x1];
	s2 =	srdreg.scid  }
0x3: {  	s0 =	rddreg [dreg:$0x2];
	s1 =	stileid.u32;
	s28 =	simm.s32 $0x100  }
0x4: {  	s29 =	simm.s32 $0x180;
	s30 =	simm.s32 $0x200;
	s31 =	simm.s32 $0x280  }
0x5: {  	s10 =	simm.s32 $0x300;
	s9 =	simm.s32 $0x380;
	s5 =	sand.u32 $0x1, s2  }
0x6: {  	p0 =	por $0x0, $0x0;
	s7 =	sshll.u32 s5, $0x3;
	s5 =	ssub.s32 $0x2, s5  }
0x7: {  	s2 =	simm.s32 $0x0;
	s6 =	sshll.u32 s1, $0x4;
	s26 =	sshrl.u32 s5, $0x1  }
0x8: {  	[smem:$0x7FF] =	sst s2;
	s6 =	sor.u32 s7, s6;
	s5 =	ssub.s32 s5, s26  }
0x9: {  	_ =	strace $0x80000047;
	[dreg:$0x4] =	wrdreg s28;
	s11 =	smax.u32 s5, $0x1  }
0xa: {  	s7 =	sadd.s32 $0x1200, s3;
	[dreg:$0x5] =	wrdreg s29;
	p1 =	sne.s32 s11, $0x1  }
.Ltmp0:
0xb: {  	[dreg:$0x6] =	wrdreg s30;
	s8 =	sshrl.u32 s6, $0x3;
	(pc) =	sbr.rel @!p1 .LBB2_3-.Ltmp0, $4  }
0xc: {  	[dreg:$0x7] =	wrdreg s31;
	s6 =	sshll.u32 s6, $0x4;
	s3 =	sadd.s32 s8, s3  }
0xd: {  	s5 =	simm.s32 $0x80;
	s8 =	simm.s32 $0x400;
	s3 =	sadd.s32 $0x187C00, s3  }
0xe: {  	s11 =	sadd.s32 $0xFFFFFFFF, s11;
	[dreg:$0x3] =	wrdreg s3;
	s3 =	sadd.s32 s4, s6  }
0xf: {  	s4 =	simm.s32 $0x2;
	s6 =	simm.s32 $0x1;
	s12 =	rddreg [dreg:$0x3]  }
0x10: {  	[tilespmem:s2], [sflag:$0x2] =	stream.linear.gather [hbm4b:s12+s2], $0x10, $0x38;
	[tilespmem:$0x480] =	vst v63  }
0x11: {  	_ =	swait.ge [sflag:s4], $0x10  }
0x12: {  	[sflag:s4] =	ssyncset.done $0x0  }
0x13: {  	[sflag:s4] =	ssyncadd.s32 $0xFFFFFFF0  }
0x14: {  	v0 =	vld [tilespmem:$0x0];
	_ =	sdelay $0x4  }
0x15: {  	v0 =	vshll.u32 v0, $0x4  }
0x16: {  	(v2sf) =	vpush v0, $0x0  }
0x17: {  	(v2sf) =	vpush v0, $0x1  }
0x18: {  	(v2sf) =	vpush v0, $0x2;
	_ =	sdelay $0x1  }
0x19: {  	(v2sf) =	vpush v0, $0x3;
	_ =	sdelay $0x1  }
0x1a: {  	(v2sf) =	vpush v0, $0x4;
	_ =	sdelay $0x1  }
0x1b: {  	(v2sf) =	vpush v0, $0x5;
	_ =	sdelay $0x1  }
0x1c: {  	(v2sf) =	vpush v0, $0x6;
	_ =	sdelay $0x1  }
0x1d: {  	(v2sf) =	vpush v0, $0x7  }
0x1e: {  	s28 =	rddreg [dreg:$0x7]  }
0x1f: {  	s13 =	rddreg [dreg:$0x6]  }
0x20: {  	s14 =	rddreg [dreg:$0x5];
	s15 =	spop (v2sf)  }
0x21: {  	s16 =	rddreg [dreg:$0x4];
	s15 =	sand.u32 $0x1FFFFFF0, s15;
	s17 =	spop (v2sf)  }
0x22: {  	s15 =	sadd.s32 s7, s15;
	s17 =	sand.u32 $0x1FFFFFF0, s17;
	s18 =	spop (v2sf)  }
0x23: {  	[tilespmem:s5], [sflag:$0x1] =	stream.linear.gather [hbm4b:s15+s2], $0x80, $0x38;
	[tilespmem:$0x480] =	vst v63  }
0x24: {  	s29 =	sadd.s32 s7, s17;
	s30 =	sand.u32 $0x1FFFFFF0, s18;
	s31 =	spop (v2sf)  }
0x25: {  	[tilespmem:s16], [sflag:$0x1] =	stream.linear.gather [hbm4b:s29+s2], $0x80, $0x38;
	[tilespmem:$0x480] =	vst v63  }
0x26: {  	s17 =	sand.u32 $0x1FFFFFF0, s31;
	s18 =	spop (v2sf);
	s16 =	sadd.s32 s7, s30  }
0x27: {  	[tilespmem:s14], [sflag:$0x1] =	stream.linear.gather [hbm4b:s16+s2], $0x80, $0x38;
	[tilespmem:$0x480] =	vst v63  }
0x28: {  	s19 =	sadd.s32 s7, s17;
	s20 =	sand.u32 $0x1FFFFFF0, s18;
	s21 =	spop (v2sf)  }
0x29: {  	[tilespmem:s13], [sflag:$0x1] =	stream.linear.gather [hbm4b:s19+s2], $0x80, $0x38;
	[tilespmem:$0x480] =	vst v63  }
0x2a: {  	s22 =	sadd.s32 s7, s20;
	s23 =	sand.u32 $0x1FFFFFF0, s21;
	s24 =	spop (v2sf)  }
0x2b: {  	[tilespmem:s28], [sflag:$0x1] =	stream.linear.gather [hbm4b:s22+s2], $0x80, $0x38;
	[tilespmem:$0x480] =	vst v63  }
0x2c: {  	s25 =	sadd.s32 s7, s23;
	s26 =	sand.u32 $0x1FFFFFF0, s24;
	s28 =	spop (v2sf)  }
0x2d: {  	[tilespmem:s10], [sflag:$0x1] =	stream.linear.gather [hbm4b:s25+s2], $0x80, $0x38;
	[tilespmem:$0x480] =	vst v63  }
0x2e: {  	s29 =	sadd.s32 s7, s26;
	s30 =	sand.u32 $0x1FFFFFF0, s28  }
0x2f: {  	[tilespmem:s9], [sflag:$0x1] =	stream.linear.gather [hbm4b:s29+s2], $0x80, $0x38;
	[tilespmem:$0x480] =	vst v63  }
0x30: {  	s31 =	sadd.s32 s7, s30  }
0x31: {  	[tilespmem:s8], [sflag:$0x1] =	stream.linear.gather [hbm4b:s31+s2], $0x80, $0x38;
	[tilespmem:$0x480] =	vst v63  }
0x32: {  	_ =	swait.ge [sflag:s6], $0x80  }
0x33: {  	[sflag:s6] =	ssyncset.done $0x0  }
0x34: {  	[sflag:s6] =	ssyncadd.s32 $0xFFFFFF80  }
0x35: {  	_ =	swait.ge [sflag:s6], $0x80  }
0x36: {  	[sflag:s6] =	ssyncset.done $0x0  }
0x37: {  	[sflag:s6] =	ssyncadd.s32 $0xFFFFFF80  }
0x38: {  	_ =	swait.ge [sflag:s6], $0x80  }
0x39: {  	[sflag:s6] =	ssyncset.done $0x0  }
0x3a: {  	[sflag:s6] =	ssyncadd.s32 $0xFFFFFF80  }
0x3b: {  	_ =	swait.ge [sflag:s6], $0x80  }
0x3c: {  	[sflag:s6] =	ssyncset.done $0x0  }
0x3d: {  	[sflag:s6] =	ssyncadd.s32 $0xFFFFFF80  }
0x3e: {  	_ =	swait.ge [sflag:s6], $0x80  }
0x3f: {  	[sflag:s6] =	ssyncset.done $0x0  }
0x40: {  	[sflag:s6] =	ssyncadd.s32 $0xFFFFFF80  }
0x41: {  	_ =	swait.ge [sflag:s6], $0x80  }
0x42: {  	[sflag:s6] =	ssyncset.done $0x0  }
0x43: {  	[sflag:s6] =	ssyncadd.s32 $0xFFFFFF80  }
0x44: {  	_ =	swait.ge [sflag:s6], $0x80  }
0x45: {  	[sflag:s6] =	ssyncset.done $0x0  }
0x46: {  	[sflag:s6] =	ssyncadd.s32 $0xFFFFFF80  }
0x47: {  	p1 =	sne.s32 s11, $0x1;
	_ =	swait.ge [sflag:s6], $0x80  }
.Ltmp1:
0x48: {  	[sflag:s6] =	ssyncset.done $0x0;
	(pc) =	sbr.rel @!p1 .LBB2_3-.Ltmp1, $4  }
0x49: {  	[sflag:s6] =	ssyncadd.s32 $0xFFFFFF80  }
0x4a: {  	[hbm4b:s3+s2] =	stream.linear.scatter [tilespmem:s5], [sflag:$0x2], $0x400, $0x38;
	[tilespmem:$0x480] =	vst v63  }
0x4b: {  	s11 =	sadd.s32 $0xFFFFFFFF, s11;
	_ =	swait.ge [sflag:s4], $0x400  }
0x4c: {  	p0 =	por $0x1, $0x1;
	s12 =	rddreg [dreg:$0x3];
	[sflag:s4] =	ssyncset.done $0x0  }
.LBB2_2:
0x4d: {  	[sflag:s4] =	ssyncadd.s32 $0xFFFFFC00  }
0x4e: {  	[tilespmem:s2], [sflag:$0x2] =	stream.linear.gather [hbm4b:s12+s2], $0x10, $0x38;
	[tilespmem:$0x480] =	vst v63  }
0x4f: {  	_ =	swait.ge [sflag:s4], $0x10  }
0x50: {  	[sflag:s4] =	ssyncset.done $0x0  }
0x51: {  	[sflag:s4] =	ssyncadd.s32 $0xFFFFFFF0  }
0x52: {  	v0 =	vld [tilespmem:$0x0];
	_ =	sdelay $0x4  }
0x53: {  	v0 =	vshll.u32 v0, $0x4  }
0x54: {  	(v2sf) =	vpush v0, $0x0  }
0x55: {  	(v2sf) =	vpush v0, $0x1  }
0x56: {  	(v2sf) =	vpush v0, $0x2;
	_ =	sdelay $0x1  }
0x57: {  	(v2sf) =	vpush v0, $0x3;
	_ =	sdelay $0x1  }
0x58: {  	(v2sf) =	vpush v0, $0x4;
	_ =	sdelay $0x1  }
0x59: {  	(v2sf) =	vpush v0, $0x5;
	_ =	sdelay $0x1  }
0x5a: {  	(v2sf) =	vpush v0, $0x6;
	_ =	sdelay $0x1  }
0x5b: {  	(v2sf) =	vpush v0, $0x7  }
0x5c: {  	s28 =	rddreg [dreg:$0x7]  }
0x5d: {  	s13 =	rddreg [dreg:$0x6]  }
0x5e: {  	s14 =	rddreg [dreg:$0x5];
	s15 =	spop (v2sf)  }
0x5f: {  	s16 =	rddreg [dreg:$0x4];
	s15 =	sand.u32 $0x1FFFFFF0, s15;
	s17 =	spop (v2sf)  }
0x60: {  	s15 =	sadd.s32 s7, s15;
	s17 =	sand.u32 $0x1FFFFFF0, s17;
	s18 =	spop (v2sf)  }
0x61: {  	[tilespmem:s5], [sflag:$0x1] =	stream.linear.gather [hbm4b:s15+s2], $0x80, $0x38;
	[tilespmem:$0x480] =	vst v63  }
0x62: {  	s29 =	sadd.s32 s7, s17;
	s30 =	sand.u32 $0x1FFFFFF0, s18;
	s31 =	spop (v2sf)  }
0x63: {  	[tilespmem:s16], [sflag:$0x1] =	stream.linear.gather [hbm4b:s29+s2], $0x80, $0x38;
	[tilespmem:$0x480] =	vst v63  }
0x64: {  	s17 =	sand.u32 $0x1FFFFFF0, s31;
	s18 =	spop (v2sf);
	s16 =	sadd.s32 s7, s30  }
0x65: {  	[tilespmem:s14], [sflag:$0x1] =	stream.linear.gather [hbm4b:s16+s2], $0x80, $0x38;
	[tilespmem:$0x480] =	vst v63  }
0x66: {  	s19 =	sadd.s32 s7, s17;
	s20 =	sand.u32 $0x1FFFFFF0, s18;
	s21 =	spop (v2sf)  }
0x67: {  	[tilespmem:s13], [sflag:$0x1] =	stream.linear.gather [hbm4b:s19+s2], $0x80, $0x38;
	[tilespmem:$0x480] =	vst v63  }
0x68: {  	s22 =	sadd.s32 s7, s20;
	s23 =	sand.u32 $0x1FFFFFF0, s21;
	s24 =	spop (v2sf)  }
0x69: {  	[tilespmem:s28], [sflag:$0x1] =	stream.linear.gather [hbm4b:s22+s2], $0x80, $0x38;
	[tilespmem:$0x480] =	vst v63  }
0x6a: {  	s25 =	sadd.s32 s7, s23;
	s26 =	sand.u32 $0x1FFFFFF0, s24;
	s28 =	spop (v2sf)  }
0x6b: {  	[tilespmem:s10], [sflag:$0x1] =	stream.linear.gather [hbm4b:s25+s2], $0x80, $0x38;
	[tilespmem:$0x480] =	vst v63  }
0x6c: {  	s29 =	sadd.s32 s7, s26;
	s30 =	sand.u32 $0x1FFFFFF0, s28  }
0x6d: {  	[tilespmem:s9], [sflag:$0x1] =	stream.linear.gather [hbm4b:s29+s2], $0x80, $0x38;
	[tilespmem:$0x480] =	vst v63  }
0x6e: {  	s31 =	sadd.s32 s7, s30  }
0x6f: {  	[tilespmem:s8], [sflag:$0x1] =	stream.linear.gather [hbm4b:s31+s2], $0x80, $0x38;
	[tilespmem:$0x480] =	vst v63  }
0x70: {  	_ =	swait.ge [sflag:s6], $0x80  }
0x71: {  	[sflag:s6] =	ssyncset.done $0x0  }
0x72: {  	[sflag:s6] =	ssyncadd.s32 $0xFFFFFF80  }
0x73: {  	_ =	swait.ge [sflag:s6], $0x80  }
0x74: {  	[sflag:s6] =	ssyncset.done $0x0  }
0x75: {  	[sflag:s6] =	ssyncadd.s32 $0xFFFFFF80  }
0x76: {  	_ =	swait.ge [sflag:s6], $0x80  }
0x77: {  	[sflag:s6] =	ssyncset.done $0x0  }
0x78: {  	[sflag:s6] =	ssyncadd.s32 $0xFFFFFF80  }
0x79: {  	_ =	swait.ge [sflag:s6], $0x80  }
0x7a: {  	[sflag:s6] =	ssyncset.done $0x0  }
0x7b: {  	[sflag:s6] =	ssyncadd.s32 $0xFFFFFF80  }
0x7c: {  	_ =	swait.ge [sflag:s6], $0x80  }
0x7d: {  	[sflag:s6] =	ssyncset.done $0x0  }
0x7e: {  	[sflag:s6] =	ssyncadd.s32 $0xFFFFFF80  }
0x7f: {  	_ =	swait.ge [sflag:s6], $0x80  }
0x80: {  	[sflag:s6] =	ssyncset.done $0x0  }
0x81: {  	[sflag:s6] =	ssyncadd.s32 $0xFFFFFF80  }
0x82: {  	_ =	swait.ge [sflag:s6], $0x80  }
0x83: {  	[sflag:s6] =	ssyncset.done $0x0  }
0x84: {  	[sflag:s6] =	ssyncadd.s32 $0xFFFFFF80  }
0x85: {  	p1 =	sne.s32 s11, $0x1;
	_ =	swait.ge [sflag:s6], $0x80  }
.Ltmp2:
0x86: {  	[sflag:s6] =	ssyncset.done $0x0;
	(pc) =	sbr.rel @p1 .LBB2_2-.Ltmp2, $4  }
0x87: {  	[sflag:s6] =	ssyncadd.s32 $0xFFFFFF80  }
0x88: {  	[hbm4b:s3+s2] =	stream.linear.scatter [tilespmem:s5], [sflag:$0x2], $0x400, $0x38;
	[tilespmem:$0x480] =	vst v63  }
0x89: {  	_ =	swait.ge [sflag:s4], $0x400  }
0x8a: {  	s11 =	sadd.s32 $0xFFFFFFFF, s11;
	s12 =	rddreg [dreg:$0x3];
	[sflag:s4] =	ssyncset.done $0x0  }
.LBB2_3:
0x8b: {  	[sflag:s4] =	ssyncadd.s32 @p0 $0xFFFFFC00  }
0x8c: {  	[tilespmem:s2], [sflag:$0x2] =	stream.linear.gather [hbm4b:s12+s2], $0x10, $0x38;
	[tilespmem:$0x480] =	vst v63  }
0x8d: {  	_ =	swait.ge [sflag:s4], $0x10  }
0x8e: {  	[sflag:s4] =	ssyncset.done $0x0  }
0x8f: {  	[sflag:s4] =	ssyncadd.s32 $0xFFFFFFF0  }
0x90: {  	v0 =	vld [tilespmem:$0x0];
	_ =	sdelay $0x4  }
0x91: {  	v0 =	vshll.u32 v0, $0x4  }
0x92: {  	(v2sf) =	vpush v0, $0x0  }
0x93: {  	(v2sf) =	vpush v0, $0x1  }
0x94: {  	(v2sf) =	vpush v0, $0x2;
	_ =	sdelay $0x1  }
0x95: {  	(v2sf) =	vpush v0, $0x3;
	_ =	sdelay $0x1  }
0x96: {  	(v2sf) =	vpush v0, $0x4;
	_ =	sdelay $0x1  }
0x97: {  	(v2sf) =	vpush v0, $0x5;
	_ =	sdelay $0x1  }
0x98: {  	(v2sf) =	vpush v0, $0x6;
	_ =	sdelay $0x1  }
0x99: {  	(v2sf) =	vpush v0, $0x7  }
0x9a: {  	s11 =	rddreg [dreg:$0x7]  }
0x9b: {  	s28 =	rddreg [dreg:$0x6]  }
0x9c: {  	s13 =	rddreg [dreg:$0x5];
	s14 =	spop (v2sf)  }
0x9d: {  	s15 =	rddreg [dreg:$0x4];
	s14 =	sand.u32 $0x1FFFFFF0, s14;
	s16 =	spop (v2sf)  }
0x9e: {  	s14 =	sadd.s32 s7, s14;
	s16 =	sand.u32 $0x1FFFFFF0, s16;
	s17 =	spop (v2sf)  }
0x9f: {  	[tilespmem:s5], [sflag:$0x1] =	stream.linear.gather [hbm4b:s14+s2], $0x80, $0x38;
	[tilespmem:$0x480] =	vst v63  }
0xa0: {  	s29 =	sadd.s32 s7, s16;
	s30 =	sand.u32 $0x1FFFFFF0, s17;
	s31 =	spop (v2sf)  }
0xa1: {  	[tilespmem:s15], [sflag:$0x1] =	stream.linear.gather [hbm4b:s29+s2], $0x80, $0x38;
	[tilespmem:$0x480] =	vst v63  }
0xa2: {  	s16 =	sadd.s32 s7, s30;
	s17 =	sand.u32 $0x1FFFFFF0, s31;
	s18 =	spop (v2sf)  }
0xa3: {  	[tilespmem:s13], [sflag:$0x1] =	stream.linear.gather [hbm4b:s16+s2], $0x80, $0x38;
	[tilespmem:$0x480] =	vst v63  }
0xa4: {  	s19 =	sadd.s32 s7, s17;
	s20 =	sand.u32 $0x1FFFFFF0, s18;
	s21 =	spop (v2sf)  }
0xa5: {  	[tilespmem:s28], [sflag:$0x1] =	stream.linear.gather [hbm4b:s19+s2], $0x80, $0x38;
	[tilespmem:$0x480] =	vst v63  }
0xa6: {  	s22 =	sadd.s32 s7, s20;
	s23 =	sand.u32 $0x1FFFFFF0, s21;
	s24 =	spop (v2sf)  }
0xa7: {  	[tilespmem:s11], [sflag:$0x1] =	stream.linear.gather [hbm4b:s22+s2], $0x80, $0x38;
	[tilespmem:$0x480] =	vst v63  }
0xa8: {  	s25 =	sadd.s32 s7, s23;
	s26 =	sand.u32 $0x1FFFFFF0, s24;
	s28 =	spop (v2sf)  }
0xa9: {  	[tilespmem:s10], [sflag:$0x1] =	stream.linear.gather [hbm4b:s25+s2], $0x80, $0x38;
	[tilespmem:$0x480] =	vst v63  }
0xaa: {  	s29 =	sadd.s32 s7, s26;
	s30 =	sand.u32 $0x1FFFFFF0, s28  }
0xab: {  	[tilespmem:s9], [sflag:$0x1] =	stream.linear.gather [hbm4b:s29+s2], $0x80, $0x38;
	[tilespmem:$0x480] =	vst v63  }
0xac: {  	s31 =	sadd.s32 s7, s30  }
0xad: {  	[tilespmem:s8], [sflag:$0x1] =	stream.linear.gather [hbm4b:s31+s2], $0x80, $0x38;
	[tilespmem:$0x480] =	vst v63  }
0xae: {  	_ =	swait.ge [sflag:s6], $0x80  }
0xaf: {  	[sflag:s6] =	ssyncset.done $0x0  }
0xb0: {  	[sflag:s6] =	ssyncadd.s32 $0xFFFFFF80  }
0xb1: {  	_ =	swait.ge [sflag:s6], $0x80  }
0xb2: {  	[sflag:s6] =	ssyncset.done $0x0  }
0xb3: {  	[sflag:s6] =	ssyncadd.s32 $0xFFFFFF80  }
0xb4: {  	_ =	swait.ge [sflag:s6], $0x80  }
0xb5: {  	[sflag:s6] =	ssyncset.done $0x0  }
0xb6: {  	[sflag:s6] =	ssyncadd.s32 $0xFFFFFF80  }
0xb7: {  	_ =	swait.ge [sflag:s6], $0x80  }
0xb8: {  	[sflag:s6] =	ssyncset.done $0x0  }
0xb9: {  	[sflag:s6] =	ssyncadd.s32 $0xFFFFFF80  }
0xba: {  	_ =	swait.ge [sflag:s6], $0x80  }
0xbb: {  	[sflag:s6] =	ssyncset.done $0x0  }
0xbc: {  	[sflag:s6] =	ssyncadd.s32 $0xFFFFFF80  }
0xbd: {  	_ =	swait.ge [sflag:s6], $0x80  }
0xbe: {  	[sflag:s6] =	ssyncset.done $0x0  }
0xbf: {  	[sflag:s6] =	ssyncadd.s32 $0xFFFFFF80  }
0xc0: {  	_ =	swait.ge [sflag:s6], $0x80  }
0xc1: {  	[sflag:s6] =	ssyncset.done $0x0  }
0xc2: {  	[sflag:s6] =	ssyncadd.s32 $0xFFFFFF80  }
0xc3: {  	_ =	swait.ge [sflag:s6], $0x80  }
0xc4: {  	[sflag:s6] =	ssyncset.done $0x0  }
0xc5: {  	[sflag:s6] =	ssyncadd.s32 $0xFFFFFF80  }
0xc6: {  	[hbm4b:s3+s2] =	stream.linear.scatter [tilespmem:s5], [sflag:$0x2], $0x400, $0x38;
	[tilespmem:$0x480] =	vst v63  }
0xc7: {  	_ =	swait.ge [sflag:s4], $0x400  }
0xc8: {  	[sflag:s4] =	ssyncset.done $0x0  }
0xc9: {  	[sflag:s4] =	ssyncadd.s32 $0xFFFFFC00  }
0xca: {  	_ =	sfence.sel $0x180000  }
0xcb: {  	[bflag:$0x0] =	sbarrier.arrive $0xFFFF  }
0xcc: {  	p0 =	sne.s32 s1, $0x0;
	_ =	strace $0x90000047  }
0xcd: {  	s0 =	sadd.s32 @!p0 $0x100000, s0;
	[bflag:$0x2] =	sbarrier.arrive $0xFFFF  }
0xce: {  	[sflag:s0] =	ssyncadd.tile.s32 @!p0 $0x1;
	_ =	shalt  }
.Lfunc_end2:
_tile_overlayer_lowered:
.L_overlay_start_2:
0xcf: {  	(tag) =	ssettag $0x2  }
0xd0: {  	s0 =	rddreg [dreg:$0x0];
	s2 =	stileid.u32  }
0xd1: {  	s1 =	rddreg [dreg:$0x1];
	p0 =	sne.s32 s2, $0x0  }
0xd2: {  	s3 =	rddreg [dreg:$0x2];
	[bflag:$0x3] =	sbarrier.arrive $0xFFFF;
	s2 =	simm.s32 @!p0 $0x1C02  }
0xd3: {  	[timem:s3], [sflag:s2] =	dma.local @!p0 [hbm:s0], s1  }
0xd4: {  	s0 =	simm.s32 @!p0 $0x2  }
0xd5: {  	_ =	swait.ge @!p0 [sflag:s0], s1  }
0xd6: {  	s1 =	ssub.s32 @!p0 $0x0, s1;
	[sflag:s0] =	ssyncset.done @!p0 $0x0  }
0xd7: {  	[sflag:s0] =	ssyncadd.s32 @!p0 s1  }
0xd8: {  	[bflag:$0x3] =	sbarrier.arrive $0xFFFF  }
0xd9: {  	_ =	shalt  }

</sc_bundles>
